<compile_context>
chip_gen: v7x
topology: tpu7x:2x2x1
jax: 0.10.2.dev20260603
libtpu: 0.0.44.dev20260713+nightly
codegen_flags: <defaults>
</compile_context>

<pallas_src>
import functools

import jax
import jax.numpy as jnp
from jax import lax
from jax.experimental import pallas as pl
from jax.experimental.pallas import tpu as pltpu
from jax.experimental.pallas import tpu_sc as plsc

TAU_RANK = 0.05
GAMMA_RANK = 2.0
TAU_GATE = 0.2

B, L, D, R = 8, 512, 768, 4
IN_DIM = D + 1
HID = 1024


def _gather_tok(emb_table, ids_flat):
    n = ids_flat.shape[0]
    d = emb_table.shape[1]
    info = plsc.get_sparse_core_info()
    nw = info.num_cores * info.num_subcores
    rows_per_w = n // nw

    mesh = plsc.VectorSubcoreMesh(core_axis_name="c", subcore_axis_name="s")

    @functools.partial(
        pl.kernel,
        mesh=mesh,
        out_type=jax.ShapeDtypeStruct((n, d), jnp.float32),
        scratch_types=[
            pltpu.VMEM((rows_per_w,), jnp.int32),
            pltpu.VMEM((rows_per_w, d), jnp.float32),
            pltpu.SemaphoreType.DMA,
        ],
    )
    def gather_k(table_hbm, idx_hbm, out_hbm, idx_v, rows_v, sem):
        wid = lax.axis_index("s") * info.num_cores + lax.axis_index("c")
        base = wid * rows_per_w
        pltpu.sync_copy(idx_hbm.at[pl.ds(base, rows_per_w)], idx_v)
        pltpu.async_copy(table_hbm.at[idx_v], rows_v, sem).wait()
        pltpu.sync_copy(rows_v, out_hbm.at[pl.ds(base, rows_per_w)])

    return gather_k(emb_table, ids_flat)


CHUNK = 128
NCHUNK = L // CHUNK


def _score_select_body(rk_ref, emb_ref, w1_ref, w2_ref, lngb_ref, b1_ref,
                       b2_ref, z_ref, g_ref, frep_ref, s_ref, rank_ref):
    r = pl.program_id(1)
    ln_g = lngb_ref[0, :]
    ln_b = lngb_ref[1, :]
    b1 = b1_ref[0, :]
    b2 = b2_ref[0, 0]
    rho = rk_ref[0, r]
    kf = rk_ref[1, r]

    @pl.when(r == 0)
    def _init():
        def init_c(c, acc):
            e_c = emb_ref[0, pl.ds(c * CHUNK, CHUNK), :]
            return acc + jnp.sum(e_c, axis=0, keepdims=True)
        acc = lax.fori_loop(0, NCHUNK, init_c, jnp.zeros((1, D), jnp.float32))
        frep_ref[0, 0, :] = acc[0] / jnp.float32(L)

    def mlp_c(c, _):
        e_c = emb_ref[0, pl.ds(c * CHUNK, CHUNK), :]
        x = jnp.concatenate(
            [e_c, jnp.full((CHUNK, 1), rho, jnp.float32)], axis=1)
        mu = jnp.mean(x, axis=1, keepdims=True)
        var = jnp.mean((x - mu) ** 2, axis=1, keepdims=True)
        xh = (x - mu) / jnp.sqrt(var + 1e-5) * ln_g[None, :] + ln_b[None, :]
        pre = jnp.dot(xh, w1_ref[...],
                      preferred_element_type=jnp.float32) + b1[None, :]
        h = 0.5 * pre * (1.0 - lax.erf(-pre * jnp.float32(0.7071067811865476)))
        s_ref[pl.ds(c * CHUNK, CHUNK), :] = (
            jnp.dot(h, w2_ref[...], preferred_element_type=jnp.float32) + b2)
        return 0
    lax.fori_loop(0, NCHUNK, mlp_c, 0)

    ii = lax.broadcasted_iota(jnp.int32, (L, L), 0)
    jj = lax.broadcasted_iota(jnp.int32, (L, L), 1)
    s_row = jnp.sum(jnp.where(ii == jj, s_ref[...], 0.0),
                    axis=0, keepdims=True)
    mean_s = jnp.sum(s_row) / jnp.float32(L)
    var_s = jnp.sum((s_row - mean_s) ** 2) / jnp.float32(L)
    sn_row = (s_row - mean_s) / jnp.sqrt(var_s + 1e-6)
    s_ref[...] = jnp.sum(jnp.where(ii == jj, sn_row, 0.0),
                         axis=1, keepdims=True)

    def rank_c(c, _):
        snc = s_ref[pl.ds(c * CHUNK, CHUNK), :]
        diff = snc - sn_row
        y = -diff / jnp.float32(TAU_RANK)
        p = 1.0 / (1.0 + jnp.exp(-y))
        pp = p * p
        rank_ref[pl.ds(c * CHUNK, CHUNK), :] = (
            1.0 + jnp.sum(pp, axis=1, keepdims=True)) - 0.5
        return 0
    lax.fori_loop(0, NCHUNK, rank_c, 0)
    ranks = jnp.sum(jnp.where(ii == jj, rank_ref[...], 0.0),
                    axis=0, keepdims=True)

    yg = (kf - ranks) / jnp.float32(TAU_GATE)
    gate = 1.0 / (1.0 + jnp.exp(-yg))
    z_ref[0, 0, 0, :] = (gate / jnp.maximum(jnp.sum(gate), 1e-8) * kf)[0]

    eta = jnp.float32(2.0 ** -35)

    def count_c(c, acc):
        rc = rank_ref[pl.ds(c * CHUNK, CHUNK), :]
        jg = (lax.broadcasted_iota(jnp.int32, (CHUNK, L), 0)
              + c * CHUNK).astype(jnp.float32)
        ig = lax.broadcasted_iota(jnp.int32, (CHUNK, L), 1).astype(jnp.float32)
        d = (ranks - rc) + eta * (ig - jg)
        return acc + jnp.sum((d > 0.0).astype(jnp.float32),
                             axis=0, keepdims=True)
    cnt = lax.fori_loop(0, NCHUNK, count_c,
                        jnp.zeros((1, L), jnp.float32))
    g_ref[0, 0, 0, :] = (cnt[0] < kf).astype(jnp.float32)


def _score_select(embeddings, W1, W2, lngb, b1_2, b2_2, rk):
    return pl.pallas_call(
        _score_select_body,
        grid=(B, R),
        in_specs=[
            pl.BlockSpec(memory_space=pltpu.SMEM),
            pl.BlockSpec((1, L, D), lambda b, r: (b, 0, 0)),
            pl.BlockSpec((IN_DIM, HID), lambda b, r: (0, 0)),
            pl.BlockSpec((HID, 1), lambda b, r: (0, 0)),
            pl.BlockSpec((2, IN_DIM), lambda b, r: (0, 0)),
            pl.BlockSpec((1, HID), lambda b, r: (0, 0)),
            pl.BlockSpec((1, 1), lambda b, r: (0, 0)),
        ],
        out_specs=[
            pl.BlockSpec((1, 1, 1, L), lambda b, r: (b, r, 0, 0)),
            pl.BlockSpec((1, 1, 1, L), lambda b, r: (b, r, 0, 0)),
            pl.BlockSpec((1, 1, D), lambda b, r: (b, 0, 0)),
        ],
        out_shape=[
            jax.ShapeDtypeStruct((B, R, 1, L), jnp.float32),
            jax.ShapeDtypeStruct((B, R, 1, L), jnp.float32),
            jax.ShapeDtypeStruct((B, 1, D), jnp.float32),
        ],
        scratch_shapes=[pltpu.VMEM((L, 1), jnp.float32),
                        pltpu.VMEM((L, 1), jnp.float32)],
    )(rk, embeddings, W1, W2, lngb, b1_2, b2_2)


def _pool_loss_body(tok_ref, z_ref, frep_ref, cos_ref):
    tok = tok_ref[0]
    zb = z_ref[0, :, 0, :]
    num = jnp.dot(zb, tok, preferred_element_type=jnp.float32)
    denom = jnp.sum(zb, axis=1, keepdims=True)
    pred = num / jnp.maximum(denom, 1e-9)
    fr = frep_ref[0, 0, :]
    na = jnp.maximum(jnp.sqrt(jnp.sum(pred * pred, axis=1)), 1e-8)
    nb = jnp.maximum(jnp.sqrt(jnp.sum(fr * fr)), 1e-8)
    dotp = jnp.sum(pred * fr[None, :], axis=1)
    cos_ref[0, 0, :] = dotp / (na * nb)


def _pool_loss(tok, z, frep):
    return pl.pallas_call(
        _pool_loss_body,
        grid=(B,),
        in_specs=[
            pl.BlockSpec((1, L, D), lambda b: (b, 0, 0)),
            pl.BlockSpec((1, R, 1, L), lambda b: (b, 0, 0, 0)),
            pl.BlockSpec((1, 1, D), lambda b: (b, 0, 0)),
        ],
        out_specs=pl.BlockSpec((1, 1, R), lambda b: (b, 0, 0)),
        out_shape=jax.ShapeDtypeStruct((B, 1, R), jnp.float32),
    )(tok, z, frep)


def kernel(ids, embeddings, attn, rhos, ln_g, ln_b, W1, b1, W2, b2, emb_table):
    del attn
    ids_flat = ids.reshape(B * L).astype(jnp.int32)

    kf = jnp.maximum(jnp.round(rhos * jnp.float32(L)), 1.0).astype(jnp.float32)
    rk = jnp.stack([rhos.astype(jnp.float32), kf])
    lngb = jnp.stack([ln_g, ln_b])
    b1_2 = b1.reshape(1, HID)
    b2_2 = b2.reshape(1, 1)

    tok_flat = _gather_tok(emb_table, ids_flat)
    zb, gb, frep = _score_select(embeddings, W1, W2, lngb, b1_2, b2_2, rk)
    cosb = _pool_loss(tok_flat.reshape(B, L, D), zb, frep)
    loss = jnp.mean(1.0 - cosb)
    z = zb.reshape(B, R, L).transpose(1, 0, 2)
    g = gb.reshape(B, R, L).transpose(1, 0, 2)
    return z, g, loss

# --- scband reference (transcript-rebuilt; emitter-appended) ---
"""Pipeline reference for scband-rationale-selector-model-42760694399411 (READ-ONLY COPY).

The authoritative reference and input builder live on the scoring server;
editing this copy changes nothing except your own understanding.
"""

import jax, jax.numpy as jnp
import numpy as np

TAU_RANK = 0.05
GAMMA_RANK = 2.0
TAU_GATE = 0.2


def pool(emb, attn):
    w = attn[..., None]
    return (emb * w).sum(axis=1) / jnp.maximum(w.sum(axis=1), 1e-9)


def soft_rank(scores, attn, tau, gamma=1.0):
    scores = jnp.where(attn == 0, 0.0, scores)
    denom = jnp.maximum(attn.sum(axis=1, keepdims=True), 1.0)
    mean = (scores * attn).sum(axis=1, keepdims=True) / denom
    var = (((scores - mean) ** 2) * attn).sum(axis=1, keepdims=True) / denom
    std = jnp.sqrt(var + 1e-6)
    s = (scores - mean) / std
    diff = s[:, :, None] - s[:, None, :]
    p = jax.nn.sigmoid(-diff / tau)
    if gamma != 1.0:
        p = p ** gamma
    pair = attn[:, None, :] * attn[:, :, None]
    p = p * pair
    r = 1.0 + p.sum(axis=2) - 0.5
    return jnp.where(attn == 0, 1e9, r)


def selector_mlp(x, rho, ln_g, ln_b, W1, b1, W2, b2):
    rho_feat = jnp.broadcast_to(rho[:, None, None], (x.shape[0], x.shape[1], 1)).astype(x.dtype)
    x = jnp.concatenate([x, rho_feat], axis=-1)
    mu = x.mean(axis=-1, keepdims=True)
    var = ((x - mu) ** 2).mean(axis=-1, keepdims=True)
    xh = (x - mu) / jnp.sqrt(var + 1e-5) * ln_g + ln_b
    h = jax.nn.gelu(xh @ W1 + b1, approximate=False)
    return (h @ W2 + b2)[..., 0]


def forward(embeddings, ln_g, ln_b, W1, b1, W2, b2, emb_table, ids, attn, rhos):
    attn_f = attn.astype(jnp.float32)
    full_rep = jax.lax.stop_gradient(pool(embeddings, attn_f))
    L_eff = attn_f.sum(axis=1)
    B, L = ids.shape
    R = rhos.shape[0]
    emb = embeddings * attn[..., None]
    D = emb.shape[-1]
    emb_rep = jnp.broadcast_to(emb[None], (R, B, L, D)).reshape(R * B, L, D)
    attn_rank = jnp.broadcast_to(attn_f[None], (R, B, L)).reshape(R * B, L)
    rho_per = jnp.broadcast_to(rhos[:, None], (R, B)).reshape(R * B)
    scores = selector_mlp(emb_rep, rho_per, ln_g, ln_b, W1, b1, W2, b2)
    scores = jnp.where(attn_rank == 0, 0.0, scores)
    ranks = soft_rank(scores, attn_rank, TAU_RANK, GAMMA_RANK).reshape(R, B, L)
    k = jnp.round(rhos[:, None] * L_eff[None]).astype(jnp.int32)
    k = jnp.where(L_eff[None] > 0, jnp.maximum(k, 1), jnp.zeros_like(k))
    kf = k.astype(jnp.float32)
    gate_raw = jax.nn.sigmoid((kf[:, :, None] - ranks) / TAU_GATE) * attn_f[None]
    z = gate_raw / jnp.maximum(gate_raw.sum(axis=-1, keepdims=True), 1e-8)
    z = z * kf[:, :, None]
    invalid = jnp.where(attn_f[None] == 0, jnp.inf, ranks)
    sorted_idx = jnp.argsort(invalid, axis=2)
    pos = jnp.arange(L)
    valid_sel = (pos[None, None, :] < k[:, :, None]).astype(jnp.float32)
    ridx = jnp.arange(R)[:, None, None]
    bidx = jnp.arange(B)[None, :, None]
    g = jnp.zeros((R, B, L), dtype=jnp.float32).at[ridx, bidx, sorted_idx].set(valid_sel)
    effective_attns = attn_f[None] * z
    ids_rep = jnp.broadcast_to(ids[None], (R, B, L)).reshape(R * B, L)
    attn_rep = effective_attns.reshape(R * B, L)
    tok = jnp.take(emb_table, ids_rep, axis=0)
    pred_rep = pool(tok, attn_rep).reshape(R, B, -1)
    full_exp = jnp.broadcast_to(full_rep[None], pred_rep.shape)
    na = jnp.maximum(jnp.linalg.norm(pred_rep, axis=-1), 1e-8)
    nb = jnp.maximum(jnp.linalg.norm(full_exp, axis=-1), 1e-8)
    cos = (pred_rep * full_exp).sum(axis=-1) / (na * nb)
    loss = (1.0 - cos).mean()
    return z, g, loss


def setup_inputs(seed: int = 0):
    key = jax.random.key(seed)
    ks = jax.random.split(key, 8)
    B, L, D, R = 8, 512, 768, 4
    vocab, hidden = 30522, 1024
    ids = jax.random.randint(ks[0], (B, L), 0, vocab)
    embeddings = jax.random.normal(ks[1], (B, L, D), dtype=jnp.float32)
    attn = jnp.ones((B, L), dtype=jnp.float32)
    rhos = jax.random.uniform(ks[2], (R,), minval=0.05, maxval=0.95, dtype=jnp.float32)
    in_dim = D + 1
    ln_g = jnp.ones((in_dim,), dtype=jnp.float32)
    ln_b = jnp.zeros((in_dim,), dtype=jnp.float32)
    W1 = jax.random.normal(ks[3], (in_dim, hidden), dtype=jnp.float32) * 0.02
    b1 = jnp.zeros((hidden,), dtype=jnp.float32)
    W2 = jax.random.normal(ks[4], (hidden, 1), dtype=jnp.float32) * 0.02
    b2 = jnp.zeros((1,), dtype=jnp.float32)
    emb_table = jax.random.normal(ks[5], (vocab, D), dtype=jnp.float32) * 0.02
    return {"ids": ids, "embeddings": embeddings, "attn": attn, "rhos": rhos, "ln_g": ln_g, "ln_b": ln_b, "W1": W1, "b1": b1, "W2": W2, "b2": b2, "emb_table": emb_table}


def reference(ids, embeddings, attn, rhos, ln_g, ln_b, W1, b1, W2, b2, emb_table):
    return forward(embeddings, ln_g, ln_b, W1, b1, W2, b2, emb_table, ids, attn, rhos)

if __name__ == "__main__":
    import jax
    _d = setup_inputs()
    print(jax.jit(kernel)(*tuple(_d.values())))

</pallas_src>

<mosaic_0001>
#map = affine_map<(d0, d1) -> (0, 0)>
#map1 = affine_map<(d0, d1) -> (0)>
module attributes {stable_mosaic.version = 14 : i64} {
  func.func @gather_k(%arg0: i32, %arg1: i32, %arg2: memref<30522x768xf32, #tpu.memory_space<hbm>>, %arg3: memref<4096xi32, #tpu.memory_space<hbm>>, %arg4: memref<4096x768xf32, #tpu.memory_space<hbm>>, %arg5: memref<128xi32, #tpu.memory_space<vmem>>, %arg6: memref<128x768xf32, #tpu.memory_space<vmem>>, %arg7: memref<!tpu.dma_semaphore, #tpu.memory_space<semaphore_mem>>) attributes {dimension_semantics = [#tpu.dimension_semantics<core_parallel>, #tpu.dimension_semantics<subcore_parallel>], iteration_bounds = array<i64: 2, 16>, scalar_prefetch = 0 : i64, scratch_operands = 3 : i64, tpu.core_type = #tpu.core_type<sc_vector_subcore>, window_params = [{transform_indices = #map}, {transform_indices = #map1}, {transform_indices = #map}]} {
    %mul3A = arith.constant 2 : i32
    %mul3A_0 = arith.muli %arg1, %mul3A : i32
    %add3A = arith.addi %mul3A_0, %arg0 : i32
    %mul3A_1 = arith.constant 128 : i32
    %mul3A_2 = arith.muli %add3A, %mul3A_1 : i32
    "tpu.region"() ({
      %run_scoped3A = tpu.sem_alloc : memref<!tpu.dma_semaphore, #tpu.memory_space<semaphore_mem>>
      %dma_start3A_7 = tpu.memref_slice %arg3[%mul3A_2] : memref<4096xi32, #tpu.memory_space<hbm>> -> memref<128xi32, #tpu.memory_space<hbm>>
      %dma_start3A_8 = tpu.memref_slice %arg3[%mul3A_2] : memref<4096xi32, #tpu.memory_space<hbm>> -> memref<128xi32, #tpu.memory_space<hbm>>
      tpu.enqueue_dma source(%dma_start3A_8 : memref<128xi32, #tpu.memory_space<hbm>>) target(%arg5 : memref<128xi32, #tpu.memory_space<vmem>>) target_semaphore(%run_scoped3A : memref<!tpu.dma_semaphore, #tpu.memory_space<semaphore_mem>>)
      %dma_wait3A_9 = tpu.memref_slice %arg3[%mul3A_2] : memref<4096xi32, #tpu.memory_space<hbm>> -> memref<128xi32, #tpu.memory_space<hbm>>
      %dma_wait3A_10 = tpu.memref_slice %arg3[%mul3A_2] : memref<4096xi32, #tpu.memory_space<hbm>> -> memref<128xi32, #tpu.memory_space<hbm>>
      tpu.wait_dma2 semaphore(%run_scoped3A : memref<!tpu.dma_semaphore, #tpu.memory_space<semaphore_mem>>) src(%dma_wait3A_10 : memref<128xi32, #tpu.memory_space<hbm>>) dst(%arg5 : memref<128xi32, #tpu.memory_space<vmem>>)
      tpu.yield
    }) : () -> ()
    %dma_start3A = arith.constant 0 : i32
    %dma_start3A_3 = arith.constant 0 : i32
    %dma_start3A_4 = tpu.memref_slice %arg2[%dma_start3A, %dma_start3A_3] : memref<30522x768xf32, #tpu.memory_space<hbm>> -> memref<30522x768xf32, #tpu.memory_space<hbm>>
    tpu.enqueue_indirect_dma source(%dma_start3A_4 : memref<30522x768xf32, #tpu.memory_space<hbm>>) target(%arg6 : memref<128x768xf32, #tpu.memory_space<vmem>>) offsets(%arg5 : memref<128xi32, #tpu.memory_space<vmem>>) semaphore(%arg7 : memref<!tpu.dma_semaphore, #tpu.memory_space<semaphore_mem>>)
    %dma_wait3A = arith.constant 0 : i32
    %dma_wait3A_5 = arith.constant 0 : i32
    %dma_wait3A_6 = tpu.memref_slice %arg2[%dma_wait3A, %dma_wait3A_5] : memref<30522x768xf32, #tpu.memory_space<hbm>> -> memref<30522x768xf32, #tpu.memory_space<hbm>>
    tpu.wait_indirect_dma semaphore(%arg7 : memref<!tpu.dma_semaphore, #tpu.memory_space<semaphore_mem>>) src(%dma_wait3A_6 : memref<30522x768xf32, #tpu.memory_space<hbm>>) dst(%arg6 : memref<128x768xf32, #tpu.memory_space<vmem>>)
    "tpu.region"() ({
      %run_scoped3A = tpu.sem_alloc : memref<!tpu.dma_semaphore, #tpu.memory_space<semaphore_mem>>
      %dma_start3A_7 = arith.constant 0 : i32
      %dma_start3A_8 = tpu.memref_slice %arg4[%mul3A_2, %dma_start3A_7] : memref<4096x768xf32, #tpu.memory_space<hbm>> -> memref<128x768xf32, #tpu.memory_space<hbm>>
      %dma_start3A_9 = arith.constant 0 : i32
      %dma_start3A_10 = tpu.memref_slice %arg4[%mul3A_2, %dma_start3A_9] : memref<4096x768xf32, #tpu.memory_space<hbm>> -> memref<128x768xf32, #tpu.memory_space<hbm>>
      tpu.enqueue_dma source(%arg6 : memref<128x768xf32, #tpu.memory_space<vmem>>) target(%dma_start3A_10 : memref<128x768xf32, #tpu.memory_space<hbm>>) target_semaphore(%run_scoped3A : memref<!tpu.dma_semaphore, #tpu.memory_space<semaphore_mem>>)
      %dma_wait3A_11 = arith.constant 0 : i32
      %dma_wait3A_12 = tpu.memref_slice %arg4[%mul3A_2, %dma_wait3A_11] : memref<4096x768xf32, #tpu.memory_space<hbm>> -> memref<128x768xf32, #tpu.memory_space<hbm>>
      %dma_wait3A_13 = arith.constant 0 : i32
      %dma_wait3A_14 = tpu.memref_slice %arg4[%mul3A_2, %dma_wait3A_13] : memref<4096x768xf32, #tpu.memory_space<hbm>> -> memref<128x768xf32, #tpu.memory_space<hbm>>
      tpu.wait_dma2 semaphore(%run_scoped3A : memref<!tpu.dma_semaphore, #tpu.memory_space<semaphore_mem>>) src(%arg6 : memref<128x768xf32, #tpu.memory_space<vmem>>) dst(%dma_wait3A_14 : memref<128x768xf32, #tpu.memory_space<hbm>>)
      tpu.yield
    }) : () -> ()
    return
  }
}

module attributes {stable_mosaic.version = 14 : i64} {
  func.func @_score_select_body(%arg0: i32, %arg1: i32, %arg2: memref<2x4xf32, #tpu.memory_space<smem>>, %arg3: memref<1x512x768xf32, #tpu.memory_space<vmem>>, %arg4: memref<769x1024xf32, #tpu.memory_space<vmem>>, %arg5: memref<1024x1xf32, #tpu.memory_space<vmem>>, %arg6: memref<2x769xf32, #tpu.memory_space<vmem>>, %arg7: memref<1x1024xf32, #tpu.memory_space<vmem>>, %arg8: memref<1x1xf32, #tpu.memory_space<vmem>>, %arg9: memref<1x1x1x512xf32, #tpu.memory_space<vmem>>, %arg10: memref<1x1x1x512xf32, #tpu.memory_space<vmem>>, %arg11: memref<1x1x768xf32, #tpu.memory_space<vmem>>, %arg12: memref<512x1xf32, #tpu.memory_space<vmem>>, %arg13: memref<512x1xf32, #tpu.memory_space<vmem>>) attributes {dimension_semantics = [#tpu.dimension_semantics<arbitrary>, #tpu.dimension_semantics<arbitrary>], iteration_bounds = array<i64: 8, 4>, scalar_prefetch = 0 : i64, scratch_operands = 2 : i64, tpu.core_type = #tpu.core_type<tc>, window_params = [{transform_indices = @transform_0, window_bounds = array<i64: 2, 4>}, {transform_indices = @transform_1, window_bounds = array<i64: 1, 512, 768>}, {pipeline_mode = #tpu.pipeline_mode<synchronous>, transform_indices = @transform_2, window_bounds = array<i64: 769, 1024>}, {pipeline_mode = #tpu.pipeline_mode<synchronous>, transform_indices = @transform_3, window_bounds = array<i64: 1024, 1>}, {pipeline_mode = #tpu.pipeline_mode<synchronous>, transform_indices = @transform_4, window_bounds = array<i64: 2, 769>}, {pipeline_mode = #tpu.pipeline_mode<synchronous>, transform_indices = @transform_5, window_bounds = array<i64: 1, 1024>}, {pipeline_mode = #tpu.pipeline_mode<synchronous>, transform_indices = @transform_6, window_bounds = array<i64: 1, 1>}, {transform_indices = @transform_7, window_bounds = array<i64: 1, 1, 1, 512>}, {transform_indices = @transform_8, window_bounds = array<i64: 1, 1, 1, 512>}, {transform_indices = @transform_9, window_bounds = array<i64: 1, 1, 768>}]} {
    %get3A = arith.constant 0 : index
    %get3A_0 = arith.constant 0 : index
    %get3A_1 = vector.load %arg6[%get3A, %get3A_0] : memref<2x769xf32, #tpu.memory_space<vmem>>, vector<1x769xf32>
    %get3A_2 = vector.shape_cast %get3A_1 : vector<1x769xf32> to vector<769xf32>
    %get3A_3 = arith.constant 1 : index
    %get3A_4 = arith.constant 0 : index
    %get3A_5 = vector.load %arg6[%get3A_3, %get3A_4] : memref<2x769xf32, #tpu.memory_space<vmem>>, vector<1x769xf32>
    %get3A_6 = vector.shape_cast %get3A_5 : vector<1x769xf32> to vector<769xf32>
    %get3A_7 = arith.constant 0 : index
    %get3A_8 = arith.constant 0 : index
    %get3A_9 = vector.load %arg7[%get3A_7, %get3A_8] : memref<1x1024xf32, #tpu.memory_space<vmem>>, vector<1x1024xf32>
    %get3A_10 = vector.shape_cast %get3A_9 : vector<1x1024xf32> to vector<1024xf32>
    %get3A_11 = arith.constant 0 : index
    %get3A_12 = arith.constant 0 : index
    %get3A_13 = vector.load %arg8[%get3A_11, %get3A_12] : memref<1x1xf32, #tpu.memory_space<vmem>>, vector<1x1xf32>
    %get3A_14 = vector.extract %get3A_13[0, 0] : f32 from vector<1x1xf32>
    %get3A_15 = arith.constant 0 : index
    %get3A_16 = arith.index_cast %arg1 : i32 to index
    %get3A_17 = memref.load %arg2[%get3A_15, %get3A_16] : memref<2x4xf32, #tpu.memory_space<smem>>
    %get3A_18 = arith.constant 1 : index
    %get3A_19 = arith.index_cast %arg1 : i32 to index
    %get3A_20 = memref.load %arg2[%get3A_18, %get3A_19] : memref<2x4xf32, #tpu.memory_space<smem>>
    %eq3A = arith.constant 0 : i32
    %eq3A_21 = arith.cmpi eq, %arg1, %eq3A : i32
    %convert_element_type3A = arith.extui %eq3A_21 : i1 to i32
    %cond3A = arith.constant 0 : i32
    %cond3A_22 = arith.cmpi ne, %convert_element_type3A, %cond3A : i32
    scf.if %cond3A_22 {
      %broadcast_in_dim3A_132 = arith.constant 0.000000e+00 : f32
      %broadcast_in_dim3A_133 = vector.broadcast %broadcast_in_dim3A_132 : f32 to vector<1x768xf32>
      %scan3A_134 = arith.constant 0 : i32
      %scan3A_135 = arith.constant 4 : i32
      %scan3A_136 = arith.addi %scan3A_134, %scan3A_135 : i32
      %scan3A_137 = arith.constant 1 : i32
      %scan3A_138 = scf.for %scan3A_150 = %scan3A_134 to %scan3A_136 step %scan3A_137 iter_args(%scan3A_151 = %broadcast_in_dim3A_133) -> (vector<1x768xf32>)  : i32 {
        %mul3A_152 = arith.constant 128 : i32
        %mul3A_153 = arith.muli %scan3A_150, %mul3A_152 : i32
        %get3A_154 = arith.constant 0 : index
        %get3A_155 = arith.index_cast %mul3A_153 : i32 to index
        %get3A_156 = arith.constant 0 : index
        %get3A_157 = vector.load %arg3[%get3A_154, %get3A_155, %get3A_156] : memref<1x512x768xf32, #tpu.memory_space<vmem>>, vector<1x128x768xf32>
        %get3A_158 = vector.shape_cast %get3A_157 : vector<1x128x768xf32> to vector<128x768xf32>
        %reduce_sum3A_159 = arith.constant dense<0.000000e+00> : vector<768xf32>
        %reduce_sum3A_160 = vector.multi_reduction <add>, %get3A_158, %reduce_sum3A_159 [0] : vector<128x768xf32> to vector<768xf32>
        %broadcast_in_dim3A_161 = vector.shape_cast %reduce_sum3A_160 : vector<768xf32> to vector<1x768xf32>
        %add3A_162 = arith.addf %scan3A_151, %broadcast_in_dim3A_161 : vector<1x768xf32>
        scf.yield %add3A_162 : vector<1x768xf32>
      }
      %scan3A_139 = arith.constant 4 : i32
      %squeeze3A_140 = vector.shape_cast %scan3A_138 : vector<1x768xf32> to vector<768xf32>
      %div3A_141 = arith.constant 5.120000e+02 : f32
      %div3A_142 = vector.broadcast %div3A_141 : f32 to vector<768xf32>
      %div3A_143 = arith.divf %squeeze3A_140, %div3A_142 : vector<768xf32>
      %swap3A_144 = arith.constant 0 : index
      %swap3A_145 = arith.constant 0 : index
      %swap3A_146 = arith.constant 0 : index
      %swap3A_147 = vector.load %arg11[%swap3A_144, %swap3A_145, %swap3A_146] : memref<1x1x768xf32, #tpu.memory_space<vmem>>, vector<1x1x768xf32>
      %swap3A_148 = vector.shape_cast %swap3A_147 : vector<1x1x768xf32> to vector<768xf32>
      %swap3A_149 = vector.shape_cast %div3A_143 : vector<768xf32> to vector<1x1x768xf32>
      tpu.vector_store %arg11[%swap3A_144, %swap3A_145, %swap3A_146], %swap3A_149 {strides = array<i32>} : memref<1x1x768xf32, #tpu.memory_space<vmem>>, vector<1x1x768xf32>,
    } else {
    }
    %scan3A = arith.constant 0 : i32
    %scan3A_23 = arith.constant 4 : i32
    %scan3A_24 = arith.addi %scan3A, %scan3A_23 : i32
    %scan3A_25 = arith.constant 1 : i32
    scf.for %scan3A_132 = %scan3A to %scan3A_24 step %scan3A_25  : i32 {
      %mul3A_133 = arith.constant 128 : i32
      %mul3A_134 = arith.muli %scan3A_132, %mul3A_133 : i32
      %get3A_135 = arith.constant 0 : index
      %get3A_136 = arith.index_cast %mul3A_134 : i32 to index
      %get3A_137 = arith.constant 0 : index
      %get3A_138 = vector.load %arg3[%get3A_135, %get3A_136, %get3A_137] : memref<1x512x768xf32, #tpu.memory_space<vmem>>, vector<1x128x768xf32>
      %get3A_139 = vector.shape_cast %get3A_138 : vector<1x128x768xf32> to vector<128x768xf32>
      %broadcast_in_dim3A_140 = vector.broadcast %get3A_17 : f32 to vector<128x1xf32>
      %concatenate3A = tpu.concatenate %get3A_139, %broadcast_in_dim3A_140 in 1 : vector<128x768xf32>, vector<128x1xf32> -> vector<128x769xf32>
      %reduce_sum3A_141 = arith.constant dense<0.000000e+00> : vector<128xf32>
      %reduce_sum3A_142 = vector.multi_reduction <add>, %concatenate3A, %reduce_sum3A_141 [1] : vector<128x769xf32> to vector<128xf32>
      %broadcast_in_dim3A_143 = vector.shape_cast %reduce_sum3A_142 : vector<128xf32> to vector<128x1xf32>
      %div3A_144 = arith.constant 7.690000e+02 : f32
      %div3A_145 = vector.broadcast %div3A_144 : f32 to vector<128x1xf32>
      %div3A_146 = arith.divf %broadcast_in_dim3A_143, %div3A_145 : vector<128x1xf32>
      %sub3A_147 = vector.broadcast %div3A_146 : vector<128x1xf32> to vector<128x769xf32>
      %sub3A_148 = arith.subf %concatenate3A, %sub3A_147 : vector<128x769xf32>
      %integer_pow3A_149 = arith.mulf %sub3A_148, %sub3A_148 : vector<128x769xf32>
      %reduce_sum3A_150 = arith.constant dense<0.000000e+00> : vector<128xf32>
      %reduce_sum3A_151 = vector.multi_reduction <add>, %integer_pow3A_149, %reduce_sum3A_150 [1] : vector<128x769xf32> to vector<128xf32>
      %broadcast_in_dim3A_152 = vector.shape_cast %reduce_sum3A_151 : vector<128xf32> to vector<128x1xf32>
      %div3A_153 = arith.constant 7.690000e+02 : f32
      %div3A_154 = vector.broadcast %div3A_153 : f32 to vector<128x1xf32>
      %div3A_155 = arith.divf %broadcast_in_dim3A_152, %div3A_154 : vector<128x1xf32>
      %sub3A_156 = vector.broadcast %div3A_146 : vector<128x1xf32> to vector<128x769xf32>
      %sub3A_157 = arith.subf %concatenate3A, %sub3A_156 : vector<128x769xf32>
      %add3A_158 = arith.constant 9.99999974E-6 : f32
      %add3A_159 = vector.broadcast %add3A_158 : f32 to vector<128x1xf32>
      %add3A_160 = arith.addf %div3A_155, %add3A_159 : vector<128x1xf32>
      %sqrt3A_161 = math.sqrt %add3A_160 : vector<128x1xf32>
      %div3A_162 = vector.broadcast %sqrt3A_161 : vector<128x1xf32> to vector<128x769xf32>
      %div3A_163 = arith.divf %sub3A_157, %div3A_162 : vector<128x769xf32>
      %broadcast_in_dim3A_164 = vector.shape_cast %get3A_2 : vector<769xf32> to vector<1x769xf32>
      %mul3A_165 = vector.broadcast %broadcast_in_dim3A_164 : vector<1x769xf32> to vector<128x769xf32>
      %mul3A_166 = arith.mulf %div3A_163, %mul3A_165 : vector<128x769xf32>
      %broadcast_in_dim3A_167 = vector.shape_cast %get3A_6 : vector<769xf32> to vector<1x769xf32>
      %add3A_168 = vector.broadcast %broadcast_in_dim3A_167 : vector<1x769xf32> to vector<128x769xf32>
      %add3A_169 = arith.addf %mul3A_166, %add3A_168 : vector<128x769xf32>
      %get3A_170 = arith.constant 0 : index
      %get3A_171 = arith.constant 0 : index
      %get3A_172 = vector.load %arg4[%get3A_170, %get3A_171] : memref<769x1024xf32, #tpu.memory_space<vmem>>, vector<769x1024xf32>
      %dot_general3A = arith.constant dense<0.000000e+00> : vector<128x1024xf32>
      %dot_general3A_173 = tpu.matmul %add3A_169, %get3A_172, %dot_general3A {dimension_numbers = #tpu.dot_dimension_numbers<[1], [0], [0], [1], [0, 0, 1, 1], [], []>, transpose_lhs_hint = false} : vector<128x769xf32>, vector<769x1024xf32>, vector<128x1024xf32> -> vector<128x1024xf32>
      %broadcast_in_dim3A_174 = vector.shape_cast %get3A_10 : vector<1024xf32> to vector<1x1024xf32>
      %add3A_175 = vector.broadcast %broadcast_in_dim3A_174 : vector<1x1024xf32> to vector<128x1024xf32>
      %add3A_176 = arith.addf %dot_general3A_173, %add3A_175 : vector<128x1024xf32>
      %mul3A_177 = arith.constant 5.000000e-01 : f32
      %mul3A_178 = vector.broadcast %mul3A_177 : f32 to vector<128x1024xf32>
      %mul3A_179 = arith.mulf %mul3A_178, %add3A_176 : vector<128x1024xf32>
      %neg3A_180 = arith.constant 0.000000e+00 : f32
      %neg3A_181 = vector.broadcast %neg3A_180 : f32 to vector<128x1024xf32>
      %neg3A_182 = arith.subf %neg3A_181, %add3A_176 : vector<128x1024xf32>
      %mul3A_183 = arith.constant 0.707106769 : f32
      %mul3A_184 = vector.broadcast %mul3A_183 : f32 to vector<128x1024xf32>
      %mul3A_185 = arith.mulf %neg3A_182, %mul3A_184 : vector<128x1024xf32>
      %erf3A = math.erf %mul3A_185 : vector<128x1024xf32>
      %sub3A_186 = arith.constant 1.000000e+00 : f32
      %sub3A_187 = vector.broadcast %sub3A_186 : f32 to vector<128x1024xf32>
      %sub3A_188 = arith.subf %sub3A_187, %erf3A : vector<128x1024xf32>
      %mul3A_189 = arith.mulf %mul3A_179, %sub3A_188 : vector<128x1024xf32>
      %get3A_190 = arith.constant 0 : index
      %get3A_191 = arith.constant 0 : index
      %get3A_192 = vector.load %arg5[%get3A_190, %get3A_191] : memref<1024x1xf32, #tpu.memory_space<vmem>>, vector<1024x1xf32>
      %dot_general3A_193 = arith.constant dense<0.000000e+00> : vector<128x1xf32>
      %dot_general3A_194 = tpu.matmul %mul3A_189, %get3A_192, %dot_general3A_193 {dimension_numbers = #tpu.dot_dimension_numbers<[1], [0], [0], [1], [0, 0, 1, 1], [], []>, transpose_lhs_hint = false} : vector<128x1024xf32>, vector<1024x1xf32>, vector<128x1xf32> -> vector<128x1xf32>
      %add3A_195 = vector.broadcast %get3A_14 : f32 to vector<128x1xf32>
      %add3A_196 = arith.addf %dot_general3A_194, %add3A_195 : vector<128x1xf32>
      %mul3A_197 = arith.constant 128 : i32
      %mul3A_198 = arith.muli %scan3A_132, %mul3A_197 : i32
      %swap3A_199 = arith.index_cast %mul3A_198 : i32 to index
      %swap3A_200 = arith.constant 0 : index
      %swap3A_201 = vector.load %arg12[%swap3A_199, %swap3A_200] : memref<512x1xf32, #tpu.memory_space<vmem>>, vector<128x1xf32>
      tpu.vector_store %arg12[%swap3A_199, %swap3A_200], %add3A_196 {strides = array<i32>} : memref<512x1xf32, #tpu.memory_space<vmem>>, vector<128x1xf32>,
    }
    %scan3A_26 = arith.constant 4 : i32
    %iota3A = tpu.iota {dimensions = array<i32: 0>} : vector<512x512xi32>
    %iota3A_27 = tpu.iota {dimensions = array<i32: 1>} : vector<512x512xi32>
    %eq3A_28 = arith.cmpi eq, %iota3A, %iota3A_27 : vector<512x512xi32>
    %get3A_29 = arith.constant 0 : index
    %get3A_30 = arith.constant 0 : index
    %get3A_31 = vector.load %arg12[%get3A_29, %get3A_30] : memref<512x1xf32, #tpu.memory_space<vmem>>, vector<512x1xf32>
    %jit3A = arith.constant 0.000000e+00 : f32
    %broadcast_in_dim3A = vector.shape_cast %get3A_31 : vector<512x1xf32> to vector<512x1xf32>
    %broadcast_in_dim3A_32 = vector.broadcast %broadcast_in_dim3A : vector<512x1xf32> to vector<512x512xf32>
    %broadcast_in_dim3A_33 = vector.broadcast %jit3A : f32 to vector<512x512xf32>
    %select_n3A = arith.select %eq3A_28, %broadcast_in_dim3A_32, %broadcast_in_dim3A_33 : vector<512x512xi1>, vector<512x512xf32>
    %reduce_sum3A = arith.constant dense<0.000000e+00> : vector<512xf32>
    %reduce_sum3A_34 = vector.multi_reduction <add>, %select_n3A, %reduce_sum3A [0] : vector<512x512xf32> to vector<512xf32>
    %broadcast_in_dim3A_35 = vector.shape_cast %reduce_sum3A_34 : vector<512xf32> to vector<1x512xf32>
    %reduce_sum3A_36 = vector.shape_cast %broadcast_in_dim3A_35 : vector<1x512xf32> to vector<1x1x512xf32>
    %reduce_sum3A_37 = arith.constant dense<0.000000e+00> : vector<1xf32>
    %reduce_sum3A_38 = vector.multi_reduction <add>, %reduce_sum3A_36, %reduce_sum3A_37 [1, 2] : vector<1x1x512xf32> to vector<1xf32>
    %reduce_sum3A_39 = vector.shape_cast %reduce_sum3A_38 : vector<1xf32> to vector<1x1x1xf32>
    %reduce_sum3A_40 = vector.extract %reduce_sum3A_39[0, 0, 0] : f32 from vector<1x1x1xf32>
    %div3A = arith.constant 5.120000e+02 : f32
    %div3A_41 = arith.divf %reduce_sum3A_40, %div3A : f32
    %sub3A = vector.broadcast %div3A_41 : f32 to vector<1x512xf32>
    %sub3A_42 = arith.subf %broadcast_in_dim3A_35, %sub3A : vector<1x512xf32>
    %integer_pow3A = arith.mulf %sub3A_42, %sub3A_42 : vector<1x512xf32>
    %reduce_sum3A_43 = vector.shape_cast %integer_pow3A : vector<1x512xf32> to vector<1x1x512xf32>
    %reduce_sum3A_44 = arith.constant dense<0.000000e+00> : vector<1xf32>
    %reduce_sum3A_45 = vector.multi_reduction <add>, %reduce_sum3A_43, %reduce_sum3A_44 [1, 2] : vector<1x1x512xf32> to vector<1xf32>
    %reduce_sum3A_46 = vector.shape_cast %reduce_sum3A_45 : vector<1xf32> to vector<1x1x1xf32>
    %reduce_sum3A_47 = vector.extract %reduce_sum3A_46[0, 0, 0] : f32 from vector<1x1x1xf32>
    %div3A_48 = arith.constant 5.120000e+02 : f32
    %div3A_49 = arith.divf %reduce_sum3A_47, %div3A_48 : f32
    %sub3A_50 = vector.broadcast %div3A_41 : f32 to vector<1x512xf32>
    %sub3A_51 = arith.subf %broadcast_in_dim3A_35, %sub3A_50 : vector<1x512xf32>
    %add3A = arith.constant 9.99999997E-7 : f32
    %add3A_52 = arith.addf %div3A_49, %add3A : f32
    %sqrt3A = math.sqrt %add3A_52 : f32
    %div3A_53 = vector.broadcast %sqrt3A : f32 to vector<1x512xf32>
    %div3A_54 = arith.divf %sub3A_51, %div3A_53 : vector<1x512xf32>
    %eq3A_55 = arith.cmpi eq, %iota3A, %iota3A_27 : vector<512x512xi32>
    %jit3A_56 = arith.constant 0.000000e+00 : f32
    %broadcast_in_dim3A_57 = vector.shape_cast %div3A_54 : vector<1x512xf32> to vector<1x512xf32>
    %broadcast_in_dim3A_58 = vector.broadcast %broadcast_in_dim3A_57 : vector<1x512xf32> to vector<512x512xf32>
    %broadcast_in_dim3A_59 = vector.broadcast %jit3A_56 : f32 to vector<512x512xf32>
    %select_n3A_60 = arith.select %eq3A_55, %broadcast_in_dim3A_58, %broadcast_in_dim3A_59 : vector<512x512xi1>, vector<512x512xf32>
    %reduce_sum3A_61 = arith.constant dense<0.000000e+00> : vector<512xf32>
    %reduce_sum3A_62 = vector.multi_reduction <add>, %select_n3A_60, %reduce_sum3A_61 [1] : vector<512x512xf32> to vector<512xf32>
    %broadcast_in_dim3A_63 = vector.shape_cast %reduce_sum3A_62 : vector<512xf32> to vector<512x1xf32>
    %swap3A = arith.constant 0 : index
    %swap3A_64 = arith.constant 0 : index
    %swap3A_65 = vector.load %arg12[%swap3A, %swap3A_64] : memref<512x1xf32, #tpu.memory_space<vmem>>, vector<512x1xf32>
    tpu.vector_store %arg12[%swap3A, %swap3A_64], %broadcast_in_dim3A_63 {strides = array<i32>} : memref<512x1xf32, #tpu.memory_space<vmem>>, vector<512x1xf32>,
    %scan3A_66 = arith.constant 0 : i32
    %scan3A_67 = arith.constant 4 : i32
    %scan3A_68 = arith.addi %scan3A_66, %scan3A_67 : i32
    %scan3A_69 = arith.constant 1 : i32
    scf.for %scan3A_132 = %scan3A_66 to %scan3A_68 step %scan3A_69  : i32 {
      %mul3A_133 = arith.constant 128 : i32
      %mul3A_134 = arith.muli %scan3A_132, %mul3A_133 : i32
      %get3A_135 = arith.index_cast %mul3A_134 : i32 to index
      %get3A_136 = arith.constant 0 : index
      %get3A_137 = vector.load %arg12[%get3A_135, %get3A_136] : memref<512x1xf32, #tpu.memory_space<vmem>>, vector<128x1xf32>
      %sub3A_138 = vector.broadcast %get3A_137 : vector<128x1xf32> to vector<128x512xf32>
      %sub3A_139 = vector.broadcast %div3A_54 : vector<1x512xf32> to vector<128x512xf32>
      %sub3A_140 = arith.subf %sub3A_138, %sub3A_139 : vector<128x512xf32>
      %neg3A_141 = arith.constant 0.000000e+00 : f32
      %neg3A_142 = vector.broadcast %neg3A_141 : f32 to vector<128x512xf32>
      %neg3A_143 = arith.subf %neg3A_142, %sub3A_140 : vector<128x512xf32>
      %div3A_144 = arith.constant 5.000000e-02 : f32
      %div3A_145 = vector.broadcast %div3A_144 : f32 to vector<128x512xf32>
      %div3A_146 = arith.divf %neg3A_143, %div3A_145 : vector<128x512xf32>
      %neg3A_147 = arith.constant 0.000000e+00 : f32
      %neg3A_148 = vector.broadcast %neg3A_147 : f32 to vector<128x512xf32>
      %neg3A_149 = arith.subf %neg3A_148, %div3A_146 : vector<128x512xf32>
      %exp3A_150 = math.exp %neg3A_149 : vector<128x512xf32>
      %add3A_151 = arith.constant 1.000000e+00 : f32
      %add3A_152 = vector.broadcast %add3A_151 : f32 to vector<128x512xf32>
      %add3A_153 = arith.addf %add3A_152, %exp3A_150 : vector<128x512xf32>
      %div3A_154 = arith.constant 1.000000e+00 : f32
      %div3A_155 = vector.broadcast %div3A_154 : f32 to vector<128x512xf32>
      %div3A_156 = arith.divf %div3A_155, %add3A_153 : vector<128x512xf32>
      %mul3A_157 = arith.mulf %div3A_156, %div3A_156 : vector<128x512xf32>
      %reduce_sum3A_158 = arith.constant dense<0.000000e+00> : vector<128xf32>
      %reduce_sum3A_159 = vector.multi_reduction <add>, %mul3A_157, %reduce_sum3A_158 [1] : vector<128x512xf32> to vector<128xf32>
      %broadcast_in_dim3A_160 = vector.shape_cast %reduce_sum3A_159 : vector<128xf32> to vector<128x1xf32>
      %add3A_161 = arith.constant 1.000000e+00 : f32
      %add3A_162 = vector.broadcast %add3A_161 : f32 to vector<128x1xf32>
      %add3A_163 = arith.addf %add3A_162, %broadcast_in_dim3A_160 : vector<128x1xf32>
      %sub3A_164 = arith.constant 5.000000e-01 : f32
      %sub3A_165 = vector.broadcast %sub3A_164 : f32 to vector<128x1xf32>
      %sub3A_166 = arith.subf %add3A_163, %sub3A_165 : vector<128x1xf32>
      %mul3A_167 = arith.constant 128 : i32
      %mul3A_168 = arith.muli %scan3A_132, %mul3A_167 : i32
      %swap3A_169 = arith.index_cast %mul3A_168 : i32 to index
      %swap3A_170 = arith.constant 0 : index
      %swap3A_171 = vector.load %arg13[%swap3A_169, %swap3A_170] : memref<512x1xf32, #tpu.memory_space<vmem>>, vector<128x1xf32>
      tpu.vector_store %arg13[%swap3A_169, %swap3A_170], %sub3A_166 {strides = array<i32>} : memref<512x1xf32, #tpu.memory_space<vmem>>, vector<128x1xf32>,
    }
    %scan3A_70 = arith.constant 4 : i32
    %eq3A_71 = arith.cmpi eq, %iota3A, %iota3A_27 : vector<512x512xi32>
    %get3A_72 = arith.constant 0 : index
    %get3A_73 = arith.constant 0 : index
    %get3A_74 = vector.load %arg13[%get3A_72, %get3A_73] : memref<512x1xf32, #tpu.memory_space<vmem>>, vector<512x1xf32>
    %jit3A_75 = arith.constant 0.000000e+00 : f32
    %broadcast_in_dim3A_76 = vector.shape_cast %get3A_74 : vector<512x1xf32> to vector<512x1xf32>
    %broadcast_in_dim3A_77 = vector.broadcast %broadcast_in_dim3A_76 : vector<512x1xf32> to vector<512x512xf32>
    %broadcast_in_dim3A_78 = vector.broadcast %jit3A_75 : f32 to vector<512x512xf32>
    %select_n3A_79 = arith.select %eq3A_71, %broadcast_in_dim3A_77, %broadcast_in_dim3A_78 : vector<512x512xi1>, vector<512x512xf32>
    %reduce_sum3A_80 = arith.constant dense<0.000000e+00> : vector<512xf32>
    %reduce_sum3A_81 = vector.multi_reduction <add>, %select_n3A_79, %reduce_sum3A_80 [0] : vector<512x512xf32> to vector<512xf32>
    %broadcast_in_dim3A_82 = vector.shape_cast %reduce_sum3A_81 : vector<512xf32> to vector<1x512xf32>
    %sub3A_83 = vector.broadcast %get3A_20 : f32 to vector<1x512xf32>
    %sub3A_84 = arith.subf %sub3A_83, %broadcast_in_dim3A_82 : vector<1x512xf32>
    %div3A_85 = arith.constant 2.000000e-01 : f32
    %div3A_86 = vector.broadcast %div3A_85 : f32 to vector<1x512xf32>
    %div3A_87 = arith.divf %sub3A_84, %div3A_86 : vector<1x512xf32>
    %neg3A = arith.constant 0.000000e+00 : f32
    %neg3A_88 = vector.broadcast %neg3A : f32 to vector<1x512xf32>
    %neg3A_89 = arith.subf %neg3A_88, %div3A_87 : vector<1x512xf32>
    %exp3A = math.exp %neg3A_89 : vector<1x512xf32>
    %add3A_90 = arith.constant 1.000000e+00 : f32
    %add3A_91 = vector.broadcast %add3A_90 : f32 to vector<1x512xf32>
    %add3A_92 = arith.addf %add3A_91, %exp3A : vector<1x512xf32>
    %div3A_93 = arith.constant 1.000000e+00 : f32
    %div3A_94 = vector.broadcast %div3A_93 : f32 to vector<1x512xf32>
    %div3A_95 = arith.divf %div3A_94, %add3A_92 : vector<1x512xf32>
    %reduce_sum3A_96 = vector.shape_cast %div3A_95 : vector<1x512xf32> to vector<1x1x512xf32>
    %reduce_sum3A_97 = arith.constant dense<0.000000e+00> : vector<1xf32>
    %reduce_sum3A_98 = vector.multi_reduction <add>, %reduce_sum3A_96, %reduce_sum3A_97 [1, 2] : vector<1x1x512xf32> to vector<1xf32>
    %reduce_sum3A_99 = vector.shape_cast %reduce_sum3A_98 : vector<1xf32> to vector<1x1x1xf32>
    %reduce_sum3A_100 = vector.extract %reduce_sum3A_99[0, 0, 0] : f32 from vector<1x1x1xf32>
    %max3A = arith.constant 9.99999993E-9 : f32
    %max3A_101 = arith.maximumf %reduce_sum3A_100, %max3A : f32
    %div3A_102 = vector.broadcast %max3A_101 : f32 to vector<1x512xf32>
    %div3A_103 = arith.divf %div3A_95, %div3A_102 : vector<1x512xf32>
    %mul3A = vector.broadcast %get3A_20 : f32 to vector<1x512xf32>
    %mul3A_104 = arith.mulf %div3A_103, %mul3A : vector<1x512xf32>
    %squeeze3A = vector.shape_cast %mul3A_104 : vector<1x512xf32> to vector<512xf32>
    %swap3A_105 = arith.constant 0 : index
    %swap3A_106 = arith.constant 0 : index
    %swap3A_107 = arith.constant 0 : index
    %swap3A_108 = arith.constant 0 : index
    %swap3A_109 = vector.load %arg9[%swap3A_105, %swap3A_106, %swap3A_107, %swap3A_108] : memref<1x1x1x512xf32, #tpu.memory_space<vmem>>, vector<1x1x1x512xf32>
    %swap3A_110 = vector.shape_cast %swap3A_109 : vector<1x1x1x512xf32> to vector<512xf32>
    %swap3A_111 = vector.shape_cast %squeeze3A : vector<512xf32> to vector<1x1x1x512xf32>
    tpu.vector_store %arg9[%swap3A_105, %swap3A_106, %swap3A_107, %swap3A_108], %swap3A_111 {strides = array<i32>} : memref<1x1x1x512xf32, #tpu.memory_space<vmem>>, vector<1x1x1x512xf32>,
    %broadcast_in_dim3A_112 = arith.constant 0.000000e+00 : f32
    %broadcast_in_dim3A_113 = vector.broadcast %broadcast_in_dim3A_112 : f32 to vector<1x512xf32>
    %scan3A_114 = arith.constant 2.91038305E-11 : f32
    %scan3A_115 = arith.constant 0 : i32
    %scan3A_116 = arith.constant 4 : i32
    %scan3A_117 = arith.addi %scan3A_115, %scan3A_116 : i32
    %scan3A_118 = arith.constant 1 : i32
    %scan3A_119 = scf.for %scan3A_132 = %scan3A_115 to %scan3A_117 step %scan3A_118 iter_args(%scan3A_133 = %broadcast_in_dim3A_113) -> (vector<1x512xf32>)  : i32 {
      %mul3A_134 = arith.constant 128 : i32
      %mul3A_135 = arith.muli %scan3A_132, %mul3A_134 : i32
      %get3A_136 = arith.index_cast %mul3A_135 : i32 to index
      %get3A_137 = arith.constant 0 : index
      %get3A_138 = vector.load %arg13[%get3A_136, %get3A_137] : memref<512x1xf32, #tpu.memory_space<vmem>>, vector<128x1xf32>
      %iota3A_139 = tpu.iota {dimensions = array<i32: 0>} : vector<128x512xi32>
      %mul3A_140 = arith.constant 128 : i32
      %mul3A_141 = arith.muli %scan3A_132, %mul3A_140 : i32
      %add3A_142 = vector.broadcast %mul3A_141 : i32 to vector<128x512xi32>
      %add3A_143 = arith.addi %iota3A_139, %add3A_142 : vector<128x512xi32>
      %convert_element_type3A_144 = arith.sitofp %add3A_143 : vector<128x512xi32> to vector<128x512xf32>
      %iota3A_145 = tpu.iota {dimensions = array<i32: 1>} : vector<128x512xi32>
      %convert_element_type3A_146 = arith.sitofp %iota3A_145 : vector<128x512xi32> to vector<128x512xf32>
      %sub3A_147 = vector.broadcast %broadcast_in_dim3A_82 : vector<1x512xf32> to vector<128x512xf32>
      %sub3A_148 = vector.broadcast %get3A_138 : vector<128x1xf32> to vector<128x512xf32>
      %sub3A_149 = arith.subf %sub3A_147, %sub3A_148 : vector<128x512xf32>
      %sub3A_150 = arith.subf %convert_element_type3A_146, %convert_element_type3A_144 : vector<128x512xf32>
      %mul3A_151 = vector.broadcast %scan3A_114 : f32 to vector<128x512xf32>
      %mul3A_152 = arith.mulf %mul3A_151, %sub3A_150 : vector<128x512xf32>
      %add3A_153 = arith.addf %sub3A_149, %mul3A_152 : vector<128x512xf32>
      %gt3A = arith.constant 0.000000e+00 : f32
      %gt3A_154 = vector.broadcast %gt3A : f32 to vector<128x512xf32>
      %gt3A_155 = arith.cmpf ogt, %add3A_153, %gt3A_154 : vector<128x512xf32>
      %convert_element_type3A_156 = arith.extui %gt3A_155 : vector<128x512xi1> to vector<128x512xi32>
      %convert_element_type3A_157 = arith.sitofp %convert_element_type3A_156 : vector<128x512xi32> to vector<128x512xf32>
      %reduce_sum3A_158 = arith.constant dense<0.000000e+00> : vector<512xf32>
      %reduce_sum3A_159 = vector.multi_reduction <add>, %convert_element_type3A_157, %reduce_sum3A_158 [0] : vector<128x512xf32> to vector<512xf32>
      %broadcast_in_dim3A_160 = vector.shape_cast %reduce_sum3A_159 : vector<512xf32> to vector<1x512xf32>
      %add3A_161 = arith.addf %scan3A_133, %broadcast_in_dim3A_160 : vector<1x512xf32>
      scf.yield %add3A_161 : vector<1x512xf32>
    }
    %scan3A_120 = arith.constant 4 : i32
    %squeeze3A_121 = vector.shape_cast %scan3A_119 : vector<1x512xf32> to vector<512xf32>
    %lt3A = vector.broadcast %get3A_20 : f32 to vector<512xf32>
    %lt3A_122 = arith.cmpf olt, %squeeze3A_121, %lt3A : vector<512xf32>
    %convert_element_type3A_123 = arith.extui %lt3A_122 : vector<512xi1> to vector<512xi32>
    %convert_element_type3A_124 = arith.sitofp %convert_element_type3A_123 : vector<512xi32> to vector<512xf32>
    %swap3A_125 = arith.constant 0 : index
    %swap3A_126 = arith.constant 0 : index
    %swap3A_127 = arith.constant 0 : index
    %swap3A_128 = arith.constant 0 : index
    %swap3A_129 = vector.load %arg10[%swap3A_125, %swap3A_126, %swap3A_127, %swap3A_128] : memref<1x1x1x512xf32, #tpu.memory_space<vmem>>, vector<1x1x1x512xf32>
    %swap3A_130 = vector.shape_cast %swap3A_129 : vector<1x1x1x512xf32> to vector<512xf32>
    %swap3A_131 = vector.shape_cast %convert_element_type3A_124 : vector<512xf32> to vector<1x1x1x512xf32>
    tpu.vector_store %arg10[%swap3A_125, %swap3A_126, %swap3A_127, %swap3A_128], %swap3A_131 {strides = array<i32>} : memref<1x1x1x512xf32, #tpu.memory_space<vmem>>, vector<1x1x1x512xf32>,
    return
  }
  func.func @transform_0(%arg0: i32, %arg1: i32) -> (i32, i32) {
    %c0_i32 = arith.constant 0 : i32
    %c0_i32_0 = arith.constant 0 : i32
    %c0_i32_1 = arith.constant 0 : i32
    return %c0_i32, %c0_i32_0 : i32, i32
  }
  func.func @transform_1(%arg0: i32, %arg1: i32) -> (i32, i32, i32) {
    %c0_i32 = arith.constant 0 : i32
    %c0_i32_0 = arith.constant 0 : i32
    %c0_i32_1 = arith.constant 0 : i32
    return %arg0, %c0_i32, %c0_i32_0 : i32, i32, i32
  }
  func.func @transform_2(%arg0: i32, %arg1: i32) -> (i32, i32) {
    %c0_i32 = arith.constant 0 : i32
    %c0_i32_0 = arith.constant 0 : i32
    %c0_i32_1 = arith.constant 0 : i32
    return %c0_i32, %c0_i32_0 : i32, i32
  }
  func.func @transform_3(%arg0: i32, %arg1: i32) -> (i32, i32) {
    %c0_i32 = arith.constant 0 : i32
    %c0_i32_0 = arith.constant 0 : i32
    %c0_i32_1 = arith.constant 0 : i32
    return %c0_i32, %c0_i32_0 : i32, i32
  }
  func.func @transform_4(%arg0: i32, %arg1: i32) -> (i32, i32) {
    %c0_i32 = arith.constant 0 : i32
    %c0_i32_0 = arith.constant 0 : i32
    %c0_i32_1 = arith.constant 0 : i32
    return %c0_i32, %c0_i32_0 : i32, i32
  }
  func.func @transform_5(%arg0: i32, %arg1: i32) -> (i32, i32) {
    %c0_i32 = arith.constant 0 : i32
    %c0_i32_0 = arith.constant 0 : i32
    %c0_i32_1 = arith.constant 0 : i32
    return %c0_i32, %c0_i32_0 : i32, i32
  }
  func.func @transform_6(%arg0: i32, %arg1: i32) -> (i32, i32) {
    %c0_i32 = arith.constant 0 : i32
    %c0_i32_0 = arith.constant 0 : i32
    %c0_i32_1 = arith.constant 0 : i32
    return %c0_i32, %c0_i32_0 : i32, i32
  }
  func.func @transform_7(%arg0: i32, %arg1: i32) -> (i32, i32, i32, i32) {
    %c0_i32 = arith.constant 0 : i32
    %c0_i32_0 = arith.constant 0 : i32
    %c0_i32_1 = arith.constant 0 : i32
    return %arg0, %arg1, %c0_i32, %c0_i32_0 : i32, i32, i32, i32
  }
  func.func @transform_8(%arg0: i32, %arg1: i32) -> (i32, i32, i32, i32) {
    %c0_i32 = arith.constant 0 : i32
    %c0_i32_0 = arith.constant 0 : i32
    %c0_i32_1 = arith.constant 0 : i32
    return %arg0, %arg1, %c0_i32, %c0_i32_0 : i32, i32, i32, i32
  }
  func.func @transform_9(%arg0: i32, %arg1: i32) -> (i32, i32, i32) {
    %c0_i32 = arith.constant 0 : i32
    %c0_i32_0 = arith.constant 0 : i32
    %c0_i32_1 = arith.constant 0 : i32
    return %arg0, %c0_i32, %c0_i32_0 : i32, i32, i32
  }
}

module attributes {stable_mosaic.version = 14 : i64} {
  func.func @_pool_loss_body(%arg0: i32, %arg1: memref<1x512x768xf32, #tpu.memory_space<vmem>>, %arg2: memref<1x4x1x512xf32, #tpu.memory_space<vmem>>, %arg3: memref<1x1x768xf32, #tpu.memory_space<vmem>>, %arg4: memref<1x1x4xf32, #tpu.memory_space<vmem>>) attributes {dimension_semantics = [#tpu.dimension_semantics<arbitrary>], iteration_bounds = array<i64: 8>, scalar_prefetch = 0 : i64, scratch_operands = 0 : i64, tpu.core_type = #tpu.core_type<tc>, window_params = [{transform_indices = @transform_0, window_bounds = array<i64: 1, 512, 768>}, {transform_indices = @transform_1, window_bounds = array<i64: 1, 4, 1, 512>}, {transform_indices = @transform_2, window_bounds = array<i64: 1, 1, 768>}, {transform_indices = @transform_3, window_bounds = array<i64: 1, 1, 4>}]} {
    %get3A = arith.constant 0 : index
    %get3A_0 = arith.constant 0 : index
    %get3A_1 = arith.constant 0 : index
    %get3A_2 = vector.load %arg1[%get3A, %get3A_0, %get3A_1] : memref<1x512x768xf32, #tpu.memory_space<vmem>>, vector<1x512x768xf32>
    %get3A_3 = vector.shape_cast %get3A_2 : vector<1x512x768xf32> to vector<512x768xf32>
    %get3A_4 = arith.constant 0 : index
    %get3A_5 = arith.constant 0 : index
    %get3A_6 = arith.constant 0 : index
    %get3A_7 = arith.constant 0 : index
    %get3A_8 = vector.load %arg2[%get3A_4, %get3A_5, %get3A_6, %get3A_7] : memref<1x4x1x512xf32, #tpu.memory_space<vmem>>, vector<1x4x1x512xf32>
    %get3A_9 = vector.shape_cast %get3A_8 : vector<1x4x1x512xf32> to vector<4x512xf32>
    %dot_general3A = arith.constant dense<0.000000e+00> : vector<4x768xf32>
    %dot_general3A_10 = tpu.matmul %get3A_9, %get3A_3, %dot_general3A {dimension_numbers = #tpu.dot_dimension_numbers<[1], [0], [0], [1], [0, 0, 1, 1], [], []>, transpose_lhs_hint = false} : vector<4x512xf32>, vector<512x768xf32>, vector<4x768xf32> -> vector<4x768xf32>
    %reduce_sum3A = arith.constant dense<0.000000e+00> : vector<4xf32>
    %reduce_sum3A_11 = vector.multi_reduction <add>, %get3A_9, %reduce_sum3A [1] : vector<4x512xf32> to vector<4xf32>
    %broadcast_in_dim3A = vector.shape_cast %reduce_sum3A_11 : vector<4xf32> to vector<4x1xf32>
    %max3A = arith.constant 9.99999971E-10 : f32
    %max3A_12 = vector.broadcast %max3A : f32 to vector<4x1xf32>
    %max3A_13 = arith.maximumf %broadcast_in_dim3A, %max3A_12 : vector<4x1xf32>
    %div3A = vector.broadcast %max3A_13 : vector<4x1xf32> to vector<4x768xf32>
    %div3A_14 = arith.divf %dot_general3A_10, %div3A : vector<4x768xf32>
    %get3A_15 = arith.constant 0 : index
    %get3A_16 = arith.constant 0 : index
    %get3A_17 = arith.constant 0 : index
    %get3A_18 = vector.load %arg3[%get3A_15, %get3A_16, %get3A_17] : memref<1x1x768xf32, #tpu.memory_space<vmem>>, vector<1x1x768xf32>
    %get3A_19 = vector.shape_cast %get3A_18 : vector<1x1x768xf32> to vector<768xf32>
    %mul3A = arith.mulf %div3A_14, %div3A_14 : vector<4x768xf32>
    %reduce_sum3A_20 = arith.constant dense<0.000000e+00> : vector<4xf32>
    %reduce_sum3A_21 = vector.multi_reduction <add>, %mul3A, %reduce_sum3A_20 [1] : vector<4x768xf32> to vector<4xf32>
    %sqrt3A = math.sqrt %reduce_sum3A_21 : vector<4xf32>
    %max3A_22 = arith.constant 9.99999993E-9 : f32
    %max3A_23 = vector.broadcast %max3A_22 : f32 to vector<4xf32>
    %max3A_24 = arith.maximumf %sqrt3A, %max3A_23 : vector<4xf32>
    %mul3A_25 = arith.mulf %get3A_19, %get3A_19 : vector<768xf32>
    %reduce_sum3A_26 = vector.shape_cast %mul3A_25 : vector<768xf32> to vector<1x768xf32>
    %reduce_sum3A_27 = arith.constant dense<0.000000e+00> : vector<1xf32>
    %reduce_sum3A_28 = vector.multi_reduction <add>, %reduce_sum3A_26, %reduce_sum3A_27 [1] : vector<1x768xf32> to vector<1xf32>
    %reduce_sum3A_29 = vector.shape_cast %reduce_sum3A_28 : vector<1xf32> to vector<1x1xf32>
    %reduce_sum3A_30 = vector.extract %reduce_sum3A_29[0, 0] : f32 from vector<1x1xf32>
    %sqrt3A_31 = math.sqrt %reduce_sum3A_30 : f32
    %max3A_32 = arith.constant 9.99999993E-9 : f32
    %max3A_33 = arith.maximumf %sqrt3A_31, %max3A_32 : f32
    %broadcast_in_dim3A_34 = vector.shape_cast %get3A_19 : vector<768xf32> to vector<1x768xf32>
    %mul3A_35 = vector.broadcast %broadcast_in_dim3A_34 : vector<1x768xf32> to vector<4x768xf32>
    %mul3A_36 = arith.mulf %div3A_14, %mul3A_35 : vector<4x768xf32>
    %reduce_sum3A_37 = arith.constant dense<0.000000e+00> : vector<4xf32>
    %reduce_sum3A_38 = vector.multi_reduction <add>, %mul3A_36, %reduce_sum3A_37 [1] : vector<4x768xf32> to vector<4xf32>
    %mul3A_39 = vector.broadcast %max3A_33 : f32 to vector<4xf32>
    %mul3A_40 = arith.mulf %max3A_24, %mul3A_39 : vector<4xf32>
    %div3A_41 = arith.divf %reduce_sum3A_38, %mul3A_40 : vector<4xf32>
    %swap3A = arith.constant 0 : index
    %swap3A_42 = arith.constant 0 : index
    %swap3A_43 = arith.constant 0 : index
    %swap3A_44 = vector.load %arg4[%swap3A, %swap3A_42, %swap3A_43] : memref<1x1x4xf32, #tpu.memory_space<vmem>>, vector<1x1x4xf32>
    %swap3A_45 = vector.shape_cast %swap3A_44 : vector<1x1x4xf32> to vector<4xf32>
    %swap3A_46 = vector.shape_cast %div3A_41 : vector<4xf32> to vector<1x1x4xf32>
    tpu.vector_store %arg4[%swap3A, %swap3A_42, %swap3A_43], %swap3A_46 {strides = array<i32>} : memref<1x1x4xf32, #tpu.memory_space<vmem>>, vector<1x1x4xf32>,
    return
  }
  func.func @transform_0(%arg0: i32) -> (i32, i32, i32) {
    %c0_i32 = arith.constant 0 : i32
    %c0_i32_0 = arith.constant 0 : i32
    %c0_i32_1 = arith.constant 0 : i32
    return %arg0, %c0_i32, %c0_i32_0 : i32, i32, i32
  }
  func.func @transform_1(%arg0: i32) -> (i32, i32, i32, i32) {
    %c0_i32 = arith.constant 0 : i32
    %c0_i32_0 = arith.constant 0 : i32
    %c0_i32_1 = arith.constant 0 : i32
    %c0_i32_2 = arith.constant 0 : i32
    return %arg0, %c0_i32, %c0_i32_0, %c0_i32_1 : i32, i32, i32, i32
  }
  func.func @transform_2(%arg0: i32) -> (i32, i32, i32) {
    %c0_i32 = arith.constant 0 : i32
    %c0_i32_0 = arith.constant 0 : i32
    %c0_i32_1 = arith.constant 0 : i32
    return %arg0, %c0_i32, %c0_i32_0 : i32, i32, i32
  }
  func.func @transform_3(%arg0: i32) -> (i32, i32, i32) {
    %c0_i32 = arith.constant 0 : i32
    %c0_i32_0 = arith.constant 0 : i32
    %c0_i32_1 = arith.constant 0 : i32
    return %arg0, %c0_i32, %c0_i32_0 : i32, i32, i32
  }
}

</mosaic_0001>

<sc_bundles>
// kernel: kernel.5.cloned.1.call-start
scs
__scs_entry_jumppad:
0x0: {  	(pc) =	sbr.rel $0x88, $3  }
0x1: {  	(tag) =	ssettag $0x0;
	lr =	simm.s32 $0x1  }
0x2: {  	[smem:$0x3F97] =	sst lr;
	_ =	strace $0xD0000000  }
0x3: {  	_ = 	snop  }
0x4: {  	_ = 	snop  }
0x5: {  	_ = 	snop  }
0x6: {  	_ = 	snop  }
0x7: {  	_ = 	snop  }
__scs_overlays_trampoline_lowered:
0x8: {  	[smem:$0x3FA6] =	sst s0  }
0x9: {  	[smem:$0x3FA7] =	sst s1  }
0xa: {  	[smem:$0x3FA8] =	sst s2  }
0xb: {  	[smem:$0x3FA9] =	sst s3  }
0xc: {  	[smem:$0x3FAA] =	sst s4  }
0xd: {  	[smem:$0x3FAB] =	sst s5  }
0xe: {  	[smem:$0x3FAC] =	sst s6  }
0xf: {  	[smem:$0x3FAD] =	sst s7  }
0x10: {  	[smem:$0x3FAE] =	sst s8  }
0x11: {  	[smem:$0x3FAF] =	sst s9;
	s0 =	simm.s32 @!p0 $0x0  }
0x12: {  	s1 =	sld [smem:$0x3F95];
	s0 =	simm.s32 @p0 $0x1  }
0x13: {  	[smem:$0x3FB0] =	sst s0;
	s0 =	simm.s32 @!p1 $0x0  }
0x14: {  	s2 =	sld [smem:$0x3F94];
	s0 =	simm.s32 @p1 $0x1  }
0x15: {  	[smem:$0x3FB1] =	sst s0;
	s0 =	simm.s32 @!p2 $0x0  }
0x16: {  	s3 =	sld [smem:$0x3FDB];
	s0 =	simm.s32 @p2 $0x1  }
0x17: {  	s4 =	simm.s32 $0x1BF5;
	[smem:$0x3FB3] =	sst s0  }
0x18: {  	s0 =	sld [smem:$0x3F96];
	_ =	swait.ge [sflag:s4], $0x0  }
0x19: {  	s7 =	sld [smem:$0x3F97]  }
0x1a: {  	s8 =	sadd.s32 $0xFFFFE003, lr  }
0x1b: {  	s9 =	sadd.s32 $0xFFFFFEF7, lr;
	s5 =	simm.s32 $0xFFFFFFFF;
	p2 =	slt.u32 s8, $0xFFFFF086  }
0x1c: {  	p1 =	slt.u32 s9, $0xF7A;
	s5 =	simm.s32 @!p2 $0x0  }
0x1d: {  	s5 =	simm.s32 @p1 $0x1;
	p0 =	seq.s32 s7, s2  }
0x1e: {  	s7 =	smul.u32 @!p0 $0xF7A, s2;
	p2 =	seq.s32 @!p0 s5, $0x0  }
0x1f: {  	s9 =	smul.u32 $0xF7A, s1;
	s8 =	simm.s32 @!p0 $0x1BF5;
	p2 =	por !p2, p0  }
0x20: {  	[sflag:s8] =	ssyncset.s32 @!p0 $0xFFFFF086;
	s6 =	sadd.s32 @!p0 s3, s7;
	s7 =	simm.s32 @!p0 $0x108  }
0x21: {  	s3 =	sadd.s32 s3, s9;
	s6 =	sadd.s32 @!p0 $0x88, s6;
	s7 =	simm.s32 @p2 $0x1082  }
0x22: {  	[simem:s7], [sflag:s8] =	dma.local @!p0 [hbm:s6], $0xF7A  }
0x23: {  	s9 =	sor.u32 $0xD0000000, s2;
	s6 =	simm.s32 $0x108;
	_ =	swait.ge @!p0 [sflag:s8], $0x0  }
0x24: {  	s3 =	sadd.s32 $0x88, s3;
	s6 =	simm.s32 @!p1 $0x1082;
	[sflag:s4] =	ssyncset.s32 $0xFFFFF086  }
0x25: {  	[simem:s6], [sflag:s4] =	dma.local [hbm:s3], $0xF7A  }
0x26: {  	[smem:$0x3F97] =	sst s1;
	(tag) =	ssettag s2;
	_ =	strace s9  }
0x27: {  	s1 =	sld [smem:$0x3FA7]  }
0x28: {  	s2 =	sld [smem:$0x3FA8]  }
0x29: {  	s4 =	sld [smem:$0x3FAA]  }
0x2a: {  	p0 =	seq.s32 s5, $0x0;
	s5 =	sld [smem:$0x3FAB]  }
0x2b: {  	s6 =	sld [smem:$0x3FAC]  }
0x2c: {  	s7 =	sld [smem:$0x3FAD]  }
0x2d: {  	s3 =	simm.s32 $0x108;
	s8 =	sld [smem:$0x3FAE]  }
0x2e: {  	s3 =	simm.s32 @!p0 $0x1082;
	s9 =	sld [smem:$0x3FAF]  }
0x2f: {  	lr =	sadd.s32 s0, s3;
	s0 =	sld [smem:$0x3FA6]  }
0x30: {  	s3 =	sld [smem:$0x3FA9]  }
0x31: {  	[smem:$0x3FB2] =	sst s10  }
0x32: {  	s10 =	sld [smem:$0x3FB0];
	_ =	sdelay $0x3  }
0x33: {  	p0 =	seq.s32 s10, $0x1;
	s10 =	sld [smem:$0x3FB2];
	_ =	sdelay $0x3  }
0x34: {  	[smem:$0x3FB2] =	sst s10  }
0x35: {  	s10 =	sld [smem:$0x3FB1];
	_ =	sdelay $0x3  }
0x36: {  	p1 =	seq.s32 s10, $0x1;
	s10 =	sld [smem:$0x3FB2];
	_ =	sdelay $0x3  }
0x37: {  	[smem:$0x3FB2] =	sst s10  }
0x38: {  	s10 =	sld [smem:$0x3FB3]  }
0x39: {  	_ = 	snop;
	(pc) =	sbr.ind lr, $3  }
0x3a: {  	_ = 	snop  }
0x3b: {  	_ = 	snop  }
0x3c: {  	p2 =	seq.s32 s10, $0x1;
	s10 =	sld [smem:$0x3FB2]  }
0x3d: {  	_ =	shalt  }
0x3e: {  	_ =	shalt  }
0x3f: {  	_ =	shalt  }
0x40: {  	_ =	shalt  }
0x41: {  	_ =	shalt  }
0x42: {  	_ =	shalt  }
0x43: {  	_ =	shalt  }
0x44: {  	_ =	shalt  }
0x45: {  	_ =	shalt  }
0x46: {  	_ =	shalt  }
0x47: {  	_ =	shalt  }
0x48: {  	_ =	shalt  }
0x49: {  	_ =	shalt  }
0x4a: {  	_ =	shalt  }
0x4b: {  	_ =	shalt  }
0x4c: {  	_ =	shalt  }
0x4d: {  	_ =	shalt  }
0x4e: {  	_ =	shalt  }
0x4f: {  	_ =	shalt  }
0x50: {  	_ =	shalt  }
0x51: {  	_ =	shalt  }
0x52: {  	_ =	shalt  }
0x53: {  	_ =	shalt  }
0x54: {  	_ =	shalt  }
0x55: {  	_ =	shalt  }
0x56: {  	_ =	shalt  }
0x57: {  	_ =	shalt  }
0x58: {  	_ =	shalt  }
0x59: {  	_ =	shalt  }
0x5a: {  	_ =	shalt  }
0x5b: {  	_ =	shalt  }
0x5c: {  	_ =	shalt  }
0x5d: {  	_ =	shalt  }
0x5e: {  	_ =	shalt  }
0x5f: {  	_ =	shalt  }
0x60: {  	_ =	shalt  }
0x61: {  	_ =	shalt  }
0x62: {  	_ =	shalt  }
0x63: {  	_ =	shalt  }
0x64: {  	_ =	shalt  }
0x65: {  	_ =	shalt  }
0x66: {  	_ =	shalt  }
0x67: {  	_ =	shalt  }
0x68: {  	_ =	shalt  }
0x69: {  	_ =	shalt  }
0x6a: {  	_ =	shalt  }
0x6b: {  	_ =	shalt  }
0x6c: {  	_ =	shalt  }
0x6d: {  	_ =	shalt  }
0x6e: {  	_ =	shalt  }
0x6f: {  	_ =	shalt  }
0x70: {  	_ =	shalt  }
0x71: {  	_ =	shalt  }
0x72: {  	_ =	shalt  }
0x73: {  	_ =	shalt  }
0x74: {  	_ =	shalt  }
0x75: {  	_ =	shalt  }
0x76: {  	_ =	shalt  }
0x77: {  	_ =	shalt  }
0x78: {  	_ =	shalt  }
0x79: {  	_ =	shalt  }
0x7a: {  	_ =	shalt  }
0x7b: {  	_ =	shalt  }
0x7c: {  	_ =	shalt  }
0x7d: {  	_ =	shalt  }
0x7e: {  	_ =	shalt  }
0x7f: {  	_ =	shalt  }
0x80: {  	_ =	shalt  }
0x81: {  	_ =	shalt  }
0x82: {  	_ =	shalt  }
0x83: {  	_ =	shalt  }
0x84: {  	_ =	shalt  }
0x85: {  	_ =	shalt  }
0x86: {  	_ =	shalt  }
0x87: {  	_ =	shalt  }
.Lfunc_end0:
.L_simem_size_0:
called_computation_lowered:
.L_overlay_start_0:
0x88: {  	s2 =	sld [smem:$0x3FD9]  }
0x89: {  	s3 =	sld [smem:$0x3FFE];
	_ =	sdelay $0x1  }
0x8a: {  	s1 =	srdreg.scid  }
0x8b: {  	s0 =	sand.u32 $0x1, s1  }
0x8c: {  	s17 =	sshll.u32 s0, $0xA;
	s2 =	sadd.s32 s3, s2  }
0x8d: {  	s2 =	sadd.s32 s2, s17  }
0x8e: {  	[smem:$0x3FBE] =	sst s2  }
0x8f: {  	_ = 	snop  }
0x90: {  	s2 =	sld [smem:$0x3FC0];
	(tm) =	ssettm $0x1  }
0x91: {  	s18 =	sld [smem:$0x3FFB];
	_ =	sdelay $0x3  }
0x92: {  	_ =	strace s18  }
0x93: {  	s3 =	sld [smem:$0x3FFC];
	_ =	sdelay $0x3  }
0x94: {  	_ =	strace s3  }
0x95: {  	s3 =	sld [smem:$0x3FFD];
	_ =	sdelay $0x3  }
0x96: {  	_ =	strace s3  }
0x97: {  	_ =	strace $0x8FFFFFFF  }
0x98: {  	s19 =	sld [smem:$0x3FDB];
	_ =	sdelay $0x1  }
0x99: {  	s4 =	simm.s32 $_scs_section_size  }
0x9a: {  	s5 =	simm.s32 $_size__tile_overlayer_lowered;
	s6 =	simm.s32 $_tile_overlayer_lowered  }
0x9b: {  	s22 =	simm.s32 $0x1BFF;
	s21 =	sshll.u32 s6, $0x1;
	s3 =	sadd.s32 s4, s19  }
0x9c: {  	s7 =	simm.s32 $0x0;
	s20 =	sshll.u32 s5, $0x1;
	s5 =	sadd.s32 s21, s3  }
0x9d: {  	[timem:s7], [sflag:s22] =	dma.local [hbm:s5], s20  }
0x9e: {  	_ =	swait.ge [sflag:s22], s20  }
0x9f: {  	s4 =	ssub.s32 $0x0, s20;
	[sflag:s22] =	ssyncset.done $0x0  }
0xa0: {  	[sflag:s22] =	ssyncadd.s32 s4;
	_ =	sdelay $0x1  }
0xa1: {  	s23 =	simm.s32 $0x1B8B  }
0xa2: {  	_ =	swait.ge [sflag:s23], $0x1  }
0xa3: {  	[sflag:s23] =	ssyncset.done $0x0  }
0xa4: {  	s25 =	simm.s32 $0x1B8E;
	s24 =	sld [smem:$0x3FFE];
	[sflag:s23] =	ssyncadd.s32 $0xFFFFFFFF  }
0xa5: {  	s26 =	simm.s32 $execute0_lowered;
	[smem:$0x3FD2] =	sst s25  }
0xa6: {  	s5 =	sshll.u32 s26, $0x1;
	_ =	strace $0x80000046;
	[dreg:$0x1] =	wrdreg $0xFFFFFFFF  }
0xa7: {  	s28 =	simm.s32 $_size_execute0_lowered;
	s3 =	sadd.s32 s3, s5;
	[dreg:$0x0] =	wrdreg $0x0  }
0xa8: {  	s5 =	sshll.u32 s28, $0x1;
	[dreg:$0x2] =	wrdreg s3  }
0xa9: {  	[dreg:$0x3] =	wrdreg s5  }
0xaa: {  	[dreg:$0x4] =	wrdreg $0xC0  }
0xab: {  	_ =	task [dreg:s7], $0x5FFFF  }
0xac: {  	[dreg:$0x1] =	wrdreg $0xFFFFFFFF  }
0xad: {  	[dreg:$0x0] =	wrdreg $0x60  }
0xae: {  	[dreg:$0x2] =	wrdreg s2  }
0xaf: {  	[dreg:$0x3] =	wrdreg s24  }
0xb0: {  	[dreg:$0x4] =	wrdreg $0x9  }
0xb1: {  	_ =	task.clear_ibuf [dreg:s7], $0x5FFFF;
	_ =	strace $0x90000046  }
0xb2: {  	s29 =	simm.s32 $0x9;
	_ =	strace $0x80000048  }
0xb3: {  	_ =	swait.ge [sflag:s29], $0x1  }
0xb4: {  	[sflag:s29] =	ssyncadd.s32 $0xFFFFFFFF  }
0xb5: {  	_ =	strace $0x90000048  }
0xb6: {  	_ =	sfence  }
0xb7: {  	s30 =	sld [smem:$0x0];
	_ =	sdelay $0x2  }
0xb8: {  	s31 =	sshll.u32 s1, $0xD;
	s1 =	sshrl.u32 s1, $0x2  }
0xb9: {  	s3 =	sand.u32 $0x4000, s31;
	s1 =	sadd.s32 s1, s30  }
0xba: {  	s0 =	sor.u32 s3, s0;
	s1 =	sshll.u32 s1, $0x11  }
0xbb: {  	s0 =	sor.u32 s1, s0  }
0xbc: {  	s0 =	sadd.s32 $0x8F2B, s0  }
0xbd: {  	[sflag:s0] =	ssyncadd.remote.s32 $0x1  }
0xbe: {  	_ =	sfence.sel $0xFFFF  }
0xbf: {  	[dreg:$0x0] =	wrdreg $0xFFFFFFFF;
	(pc) =	sbr.abs _section_cstart, $3  }
0xc0: {  	[dreg:$0x1] =	wrdreg $0xFFFFFFFF  }
0xc1: {  	_ =	task.clear_ibuf [dreg:s7], $0x2FFFF;
	_ =	strace $0x9FFFFFFF  }
0xc2: {  	(tm) =	ssettm $0x7FFFFFFF  }
0xc3: {  	_ =	shalt  }
tec
execute0_lowered:
.L_overlay_start_1:
0x0: {  	(tag) =	ssettag $0x1  }
0x1: {  	s1 =	srdreg.scid  }
0x2: {  	s0 =	stileid.u32;
	s1 =	sand.u32 $0x1, s1  }
0x3: {  	s2 =	rddreg [dreg:$0x0];
	s3 =	sshll.u32 s0, $0x5;
	s4 =	sshll.u32 s1, $0x4  }
0x4: {  	s5 =	rddreg [dreg:$0x1];
	s4 =	sor.u32 s4, s3;
	s3 =	simm.s32 $0x0  }
0x5: {  	s25 =	simm.s32 $0x880;
	[smem:$0x7FF] =	sst s3  }
0x6: {  	s26 =	simm.s32 $0x1080;
	_ =	strace $0x80000047;
	[dreg:$0x5] =	wrdreg s25  }
0x7: {  	s0 =	simm.s32 $0x1880;
	[dreg:$0x6] =	wrdreg s26  }
0x8: {  	s7 =	simm.s32 $0x3080;
	[dreg:$0x7] =	wrdreg s0  }
0x9: {  	s8 =	simm.s32 $0x3880;
	[dreg:$0xa] =	wrdreg s7  }
0xa: {  	s9 =	simm.s32 $0x4080;
	[dreg:$0xb] =	wrdreg s8  }
0xb: {  	s10 =	simm.s32 $0x4880;
	[dreg:$0xc] =	wrdreg s9  }
0xc: {  	s11 =	simm.s32 $0x5080;
	[dreg:$0xd] =	wrdreg s10  }
0xd: {  	s12 =	simm.s32 $0x5880;
	s13 =	simm.s32 $0x6080;
	[dreg:$0xe] =	wrdreg s11  }
0xe: {  	s14 =	simm.s32 $0x6880;
	s15 =	simm.s32 $0x7080;
	[dreg:$0xf] =	wrdreg s12  }
0xf: {  	s16 =	simm.s32 $0x7880;
	s17 =	simm.s32 $0x8080;
	[dreg:$0x10] =	wrdreg s13  }
0x10: {  	s18 =	simm.s32 $0x8880;
	s19 =	simm.s32 $0x9080;
	[dreg:$0x11] =	wrdreg s14  }
0x11: {  	s21 =	simm.s32 $0x9880;
	s22 =	simm.s32 $0xA080;
	[dreg:$0x12] =	wrdreg s15  }
0x12: {  	s23 =	simm.s32 $0xA880;
	s28 =	simm.s32 $0x16080;
	[dreg:$0x13] =	wrdreg s16  }
0x13: {  	s29 =	simm.s32 $0x16880;
	s30 =	simm.s32 $0x17080;
	[dreg:$0x14] =	wrdreg s17  }
0x14: {  	s31 =	simm.s32 $0x17880;
	s1 =	ssub.s32 $0x2, s1;
	[dreg:$0x15] =	wrdreg s18  }
0x15: {  	s20 =	sshrl.u32 s1, $0x1;
	s6 =	smul.u32 $0x300, s4;
	[dreg:$0x16] =	wrdreg s19  }
0x16: {  	s4 =	sadd.s32 s4, s5;
	s1 =	ssub.s32 s1, s20;
	[dreg:$0x17] =	wrdreg s21  }
0x17: {  	s20 =	simm.s32 $0x12880;
	s4 =	sadd.s32 $0x1400, s4;
	[dreg:$0x18] =	wrdreg s22  }
0x18: {  	[dreg:$0x19] =	wrdreg s23;
	s7 =	simm.s32 $0xB080;
	s25 =	simm.s32 $0xC080  }
0x19: {  	s8 =	simm.s32 $0x80;
	s26 =	simm.s32 $0xC880;
	s10 =	simm.s32 $0xD880  }
0x1a: {  	s11 =	simm.s32 $0xE080;
	s12 =	simm.s32 $0xE880;
	s13 =	simm.s32 $0xF080  }
0x1b: {  	s14 =	simm.s32 $0xF880;
	s15 =	simm.s32 $0x10080;
	s16 =	simm.s32 $0x10880  }
0x1c: {  	s17 =	simm.s32 $0x11080;
	s18 =	simm.s32 $0x11880;
	s19 =	simm.s32 $0x12080  }
0x1d: {  	s21 =	simm.s32 $0x13080;
	s22 =	simm.s32 $0x13880;
	[dreg:$0x3] =	wrdreg s4  }
0x1e: {  	s23 =	simm.s32 $0x14080;
	s5 =	sadd.s32 s6, s5;
	[dreg:$0x1a] =	wrdreg s7  }
0x1f: {  	s6 =	simm.s32 $0x2880;
	s4 =	sadd.s32 $0x100, s2;
	[dreg:$0x1c] =	wrdreg s25  }
0x20: {  	s7 =	simm.s32 $0x2;
	[dreg:$0x1d] =	wrdreg s26;
	s25 =	simm.s32 $0x15080  }
0x21: {  	s26 =	simm.s32 $0x15880;
	s24 =	sadd.s32 $0x1600, s5;
	[dreg:$0x9] =	wrdreg s6  }
0x22: {  	v2 =	vlaneseq.u32;
	s5 =	simm.s32 $0x2080;
	s6 =	smax.u32 s1, $0x1;
	[dreg:$0x4] =	wrdreg s24  }
0x23: {  	vm0 =	vmmov $0xffff;
	v1 =	vshrl.u32 v2, $0x3;
	s1 =	simm.s32 $0x1;
	[dreg:$0x8] =	wrdreg s5;
	s24 =	simm.s32 $0xB880  }
0x24: {  	v0 =	vand.u32 $0x7, v2;
	v2 =	vor.u32 $0x8, v2;
	v1 =	vmul.u32 $0x8, v1;
	s5 =	sadd.s32 $0x200, s2;
	[dreg:$0x1b] =	wrdreg s24;
	s24 =	simm.s32 $0x14880  }
.LBB2_1:
0x25: {  	s0 =	rddreg [dreg:$0x3]  }
0x26: {  	[tilespmem:s3], [sflag:$0x2] =	stream.linear.gather [hbm4b:s0+s3], $0x80, $0x38;
	[tilespmem:$0x18080] =	vst v63  }
0x27: {  	_ =	swait.ge [sflag:s7], $0x80  }
0x28: {  	[sflag:s7] =	ssyncset.done $0x0  }
0x29: {  	[sflag:s7] =	ssyncadd.s32 $0xFFFFFF80  }
0x2a: {  	v3 =	vld [tilespmem:$0x0];
	_ =	sdelay $0x4  }
0x2b: {  	v4 =	vshrl.u32 v3, $0x3  }
0x2c: {  	v4 =	vmul.u32 $0x30, v4  }
0x2d: {  	v3 =	vand.u32 $0x7, v3  }
0x2e: {  	v3 =	vor.u32 v3, v4  }
0x2f: {  	v4 =	vperm.xlane v3, v0;
	_ =	sdelay $0x1  }
0x30: {  	v4 =	vadd.s32 v1, v4;
	_ =	sdelay $0x3  }
0x31: {  	v3 =	vperm.xlane v3, v2  }
0x32: {  	[tilespmem:s8], [sflag:$0x1] =	stream.indirect_vreg.gather [hbm4b:s2+s3], $0x80, v4, vm0, $0xb8;
	[tilespmem:$0x18080] =	vst v63  }
0x33: {  	s0 =	rddreg [dreg:$0x5];
	v3 =	vadd.s32 v1, v3  }
0x34: {  	[tilespmem:s0], [sflag:$0x1] =	stream.indirect_vreg.gather [hbm4b:s4+s3], $0x80, v4, vm0, $0xb8;
	[tilespmem:$0x18080] =	vst v63  }
0x35: {  	s9 =	rddreg [dreg:$0x6]  }
0x36: {  	[tilespmem:s9], [sflag:$0x1] =	stream.indirect_vreg.gather [hbm4b:s5+s3], $0x80, v4, vm0, $0xb8;
	[tilespmem:$0x18080] =	vst v63  }
0x37: {  	s0 =	rddreg [dreg:$0x7]  }
0x38: {  	[tilespmem:s0], [sflag:$0x1] =	stream.indirect_vreg.gather [hbm4b:s2+s3], $0x80, v3, vm0, $0xb8;
	[tilespmem:$0x18080] =	vst v63  }
0x39: {  	s9 =	rddreg [dreg:$0x8]  }
0x3a: {  	[tilespmem:s9], [sflag:$0x1] =	stream.indirect_vreg.gather [hbm4b:s4+s3], $0x80, v3, vm0, $0xb8;
	[tilespmem:$0x18080] =	vst v63  }
0x3b: {  	s0 =	rddreg [dreg:$0x9]  }
0x3c: {  	[tilespmem:s0], [sflag:$0x1] =	stream.indirect_vreg.gather [hbm4b:s5+s3], $0x80, v3, vm0, $0xb8;
	[tilespmem:$0x18080] =	vst v63  }
0x3d: {  	v3 =	vld [tilespmem:$0x10];
	_ =	sdelay $0x4  }
0x3e: {  	v57 =	vshrl.u32 v3, $0x3  }
0x3f: {  	v4 =	vmul.u32 $0x30, v57  }
0x40: {  	v3 =	vand.u32 $0x7, v3  }
0x41: {  	v3 =	vor.u32 v3, v4  }
0x42: {  	v4 =	vperm.xlane v3, v0;
	_ =	sdelay $0x1  }
0x43: {  	v4 =	vadd.s32 v1, v4;
	_ =	sdelay $0x3  }
0x44: {  	s0 =	rddreg [dreg:$0xa];
	v3 =	vperm.xlane v3, v2  }
0x45: {  	[tilespmem:s0], [sflag:$0x1] =	stream.indirect_vreg.gather [hbm4b:s2+s3], $0x80, v4, vm0, $0xb8;
	[tilespmem:$0x18080] =	vst v63  }
0x46: {  	s9 =	rddreg [dreg:$0xb];
	v3 =	vadd.s32 v1, v3  }
0x47: {  	[tilespmem:s9], [sflag:$0x1] =	stream.indirect_vreg.gather [hbm4b:s4+s3], $0x80, v4, vm0, $0xb8;
	[tilespmem:$0x18080] =	vst v63  }
0x48: {  	s0 =	rddreg [dreg:$0xc]  }
0x49: {  	[tilespmem:s0], [sflag:$0x1] =	stream.indirect_vreg.gather [hbm4b:s5+s3], $0x80, v4, vm0, $0xb8;
	[tilespmem:$0x18080] =	vst v63  }
0x4a: {  	s9 =	rddreg [dreg:$0xd]  }
0x4b: {  	[tilespmem:s9], [sflag:$0x1] =	stream.indirect_vreg.gather [hbm4b:s2+s3], $0x80, v3, vm0, $0xb8;
	[tilespmem:$0x18080] =	vst v63  }
0x4c: {  	s0 =	rddreg [dreg:$0xe]  }
0x4d: {  	[tilespmem:s0], [sflag:$0x1] =	stream.indirect_vreg.gather [hbm4b:s4+s3], $0x80, v3, vm0, $0xb8;
	[tilespmem:$0x18080] =	vst v63  }
0x4e: {  	s9 =	rddreg [dreg:$0xf]  }
0x4f: {  	[tilespmem:s9], [sflag:$0x1] =	stream.indirect_vreg.gather [hbm4b:s5+s3], $0x80, v3, vm0, $0xb8;
	[tilespmem:$0x18080] =	vst v63  }
0x50: {  	v3 =	vld [tilespmem:$0x20];
	_ =	sdelay $0x4  }
0x51: {  	v58 =	vshrl.u32 v3, $0x3  }
0x52: {  	v4 =	vmul.u32 $0x30, v58  }
0x53: {  	v3 =	vand.u32 $0x7, v3  }
0x54: {  	v3 =	vor.u32 v3, v4  }
0x55: {  	v4 =	vperm.xlane v3, v0;
	_ =	sdelay $0x1  }
0x56: {  	v4 =	vadd.s32 v1, v4;
	_ =	sdelay $0x3  }
0x57: {  	s0 =	rddreg [dreg:$0x10];
	v3 =	vperm.xlane v3, v2  }
0x58: {  	[tilespmem:s0], [sflag:$0x1] =	stream.indirect_vreg.gather [hbm4b:s2+s3], $0x80, v4, vm0, $0xb8;
	[tilespmem:$0x18080] =	vst v63  }
0x59: {  	s9 =	rddreg [dreg:$0x11];
	v3 =	vadd.s32 v1, v3  }
0x5a: {  	[tilespmem:s9], [sflag:$0x1] =	stream.indirect_vreg.gather [hbm4b:s4+s3], $0x80, v4, vm0, $0xb8;
	[tilespmem:$0x18080] =	vst v63  }
0x5b: {  	s0 =	rddreg [dreg:$0x12]  }
0x5c: {  	[tilespmem:s0], [sflag:$0x1] =	stream.indirect_vreg.gather [hbm4b:s5+s3], $0x80, v4, vm0, $0xb8;
	[tilespmem:$0x18080] =	vst v63  }
0x5d: {  	s9 =	rddreg [dreg:$0x13]  }
0x5e: {  	[tilespmem:s9], [sflag:$0x1] =	stream.indirect_vreg.gather [hbm4b:s2+s3], $0x80, v3, vm0, $0xb8;
	[tilespmem:$0x18080] =	vst v63  }
0x5f: {  	s0 =	rddreg [dreg:$0x14]  }
0x60: {  	[tilespmem:s0], [sflag:$0x1] =	stream.indirect_vreg.gather [hbm4b:s4+s3], $0x80, v3, vm0, $0xb8;
	[tilespmem:$0x18080] =	vst v63  }
0x61: {  	s9 =	rddreg [dreg:$0x15]  }
0x62: {  	[tilespmem:s9], [sflag:$0x1] =	stream.indirect_vreg.gather [hbm4b:s5+s3], $0x80, v3, vm0, $0xb8;
	[tilespmem:$0x18080] =	vst v63  }
0x63: {  	v3 =	vld [tilespmem:$0x30];
	_ =	sdelay $0x4  }
0x64: {  	v59 =	vshrl.u32 v3, $0x3  }
0x65: {  	v4 =	vmul.u32 $0x30, v59  }
0x66: {  	v3 =	vand.u32 $0x7, v3  }
0x67: {  	v3 =	vor.u32 v3, v4  }
0x68: {  	v4 =	vperm.xlane v3, v0;
	_ =	sdelay $0x1  }
0x69: {  	v4 =	vadd.s32 v1, v4;
	_ =	sdelay $0x3  }
0x6a: {  	s0 =	rddreg [dreg:$0x16];
	v3 =	vperm.xlane v3, v2  }
0x6b: {  	[tilespmem:s0], [sflag:$0x1] =	stream.indirect_vreg.gather [hbm4b:s2+s3], $0x80, v4, vm0, $0xb8;
	[tilespmem:$0x18080] =	vst v63  }
0x6c: {  	s9 =	rddreg [dreg:$0x17];
	v3 =	vadd.s32 v1, v3  }
0x6d: {  	[tilespmem:s9], [sflag:$0x1] =	stream.indirect_vreg.gather [hbm4b:s4+s3], $0x80, v4, vm0, $0xb8;
	[tilespmem:$0x18080] =	vst v63  }
0x6e: {  	s0 =	rddreg [dreg:$0x18]  }
0x6f: {  	[tilespmem:s0], [sflag:$0x1] =	stream.indirect_vreg.gather [hbm4b:s5+s3], $0x80, v4, vm0, $0xb8;
	[tilespmem:$0x18080] =	vst v63  }
0x70: {  	s9 =	rddreg [dreg:$0x19]  }
0x71: {  	[tilespmem:s9], [sflag:$0x1] =	stream.indirect_vreg.gather [hbm4b:s2+s3], $0x80, v3, vm0, $0xb8;
	[tilespmem:$0x18080] =	vst v63  }
0x72: {  	s0 =	rddreg [dreg:$0x1a]  }
0x73: {  	[tilespmem:s0], [sflag:$0x1] =	stream.indirect_vreg.gather [hbm4b:s4+s3], $0x80, v3, vm0, $0xb8;
	[tilespmem:$0x18080] =	vst v63  }
0x74: {  	s9 =	rddreg [dreg:$0x1b]  }
0x75: {  	[tilespmem:s9], [sflag:$0x1] =	stream.indirect_vreg.gather [hbm4b:s5+s3], $0x80, v3, vm0, $0xb8;
	[tilespmem:$0x18080] =	vst v63  }
0x76: {  	v3 =	vld [tilespmem:$0x40];
	_ =	sdelay $0x4  }
0x77: {  	v60 =	vshrl.u32 v3, $0x3  }
0x78: {  	v4 =	vmul.u32 $0x30, v60  }
0x79: {  	v3 =	vand.u32 $0x7, v3  }
0x7a: {  	v3 =	vor.u32 v3, v4  }
0x7b: {  	v4 =	vperm.xlane v3, v0;
	_ =	sdelay $0x1  }
0x7c: {  	v4 =	vadd.s32 v1, v4;
	_ =	sdelay $0x3  }
0x7d: {  	s0 =	rddreg [dreg:$0x1c];
	v3 =	vperm.xlane v3, v2  }
0x7e: {  	[tilespmem:s0], [sflag:$0x1] =	stream.indirect_vreg.gather [hbm4b:s2+s3], $0x80, v4, vm0, $0xb8;
	[tilespmem:$0x18080] =	vst v63  }
0x7f: {  	s9 =	rddreg [dreg:$0x1d];
	v3 =	vadd.s32 v1, v3  }
0x80: {  	[tilespmem:s9], [sflag:$0x1] =	stream.indirect_vreg.gather [hbm4b:s4+s3], $0x80, v4, vm0, $0xb8;
	[tilespmem:$0x18080] =	vst v63  }
0x81: {  	s9 =	simm.s32 $0xD080  }
0x82: {  	[tilespmem:s9], [sflag:$0x1] =	stream.indirect_vreg.gather [hbm4b:s5+s3], $0x80, v4, vm0, $0xb8;
	[tilespmem:$0x18080] =	vst v63  }
0x83: {  	_ = 	snop  }
0x84: {  	[tilespmem:s10], [sflag:$0x1] =	stream.indirect_vreg.gather [hbm4b:s2+s3], $0x80, v3, vm0, $0xb8;
	[tilespmem:$0x18080] =	vst v63  }
0x85: {  	_ = 	snop  }
0x86: {  	[tilespmem:s11], [sflag:$0x1] =	stream.indirect_vreg.gather [hbm4b:s4+s3], $0x80, v3, vm0, $0xb8;
	[tilespmem:$0x18080] =	vst v63  }
0x87: {  	_ = 	snop  }
0x88: {  	[tilespmem:s12], [sflag:$0x1] =	stream.indirect_vreg.gather [hbm4b:s5+s3], $0x80, v3, vm0, $0xb8;
	[tilespmem:$0x18080] =	vst v63  }
0x89: {  	v3 =	vld [tilespmem:$0x50];
	_ =	sdelay $0x4  }
0x8a: {  	v61 =	vshrl.u32 v3, $0x3  }
0x8b: {  	v4 =	vmul.u32 $0x30, v61  }
0x8c: {  	v3 =	vand.u32 $0x7, v3  }
0x8d: {  	v3 =	vor.u32 v3, v4  }
0x8e: {  	v4 =	vperm.xlane v3, v0;
	_ =	sdelay $0x1  }
0x8f: {  	v4 =	vadd.s32 v1, v4;
	_ =	sdelay $0x3  }
0x90: {  	v3 =	vperm.xlane v3, v2  }
0x91: {  	[tilespmem:s13], [sflag:$0x1] =	stream.indirect_vreg.gather [hbm4b:s2+s3], $0x80, v4, vm0, $0xb8;
	[tilespmem:$0x18080] =	vst v63  }
0x92: {  	v3 =	vadd.s32 v1, v3  }
0x93: {  	[tilespmem:s14], [sflag:$0x1] =	stream.indirect_vreg.gather [hbm4b:s4+s3], $0x80, v4, vm0, $0xb8;
	[tilespmem:$0x18080] =	vst v63  }
0x94: {  	_ = 	snop  }
0x95: {  	[tilespmem:s15], [sflag:$0x1] =	stream.indirect_vreg.gather [hbm4b:s5+s3], $0x80, v4, vm0, $0xb8;
	[tilespmem:$0x18080] =	vst v63  }
0x96: {  	_ = 	snop  }
0x97: {  	[tilespmem:s16], [sflag:$0x1] =	stream.indirect_vreg.gather [hbm4b:s2+s3], $0x80, v3, vm0, $0xb8;
	[tilespmem:$0x18080] =	vst v63  }
0x98: {  	_ = 	snop  }
0x99: {  	[tilespmem:s17], [sflag:$0x1] =	stream.indirect_vreg.gather [hbm4b:s4+s3], $0x80, v3, vm0, $0xb8;
	[tilespmem:$0x18080] =	vst v63  }
0x9a: {  	_ = 	snop  }
0x9b: {  	[tilespmem:s18], [sflag:$0x1] =	stream.indirect_vreg.gather [hbm4b:s5+s3], $0x80, v3, vm0, $0xb8;
	[tilespmem:$0x18080] =	vst v63  }
0x9c: {  	v3 =	vld [tilespmem:$0x60];
	_ =	sdelay $0x4  }
0x9d: {  	v62 =	vshrl.u32 v3, $0x3  }
0x9e: {  	v4 =	vmul.u32 $0x30, v62  }
0x9f: {  	v3 =	vand.u32 $0x7, v3  }
0xa0: {  	v3 =	vor.u32 v3, v4  }
0xa1: {  	v4 =	vperm.xlane v3, v0;
	_ =	sdelay $0x1  }
0xa2: {  	v4 =	vadd.s32 v1, v4;
	_ =	sdelay $0x3  }
0xa3: {  	v3 =	vperm.xlane v3, v2  }
0xa4: {  	[tilespmem:s19], [sflag:$0x1] =	stream.indirect_vreg.gather [hbm4b:s2+s3], $0x80, v4, vm0, $0xb8;
	[tilespmem:$0x18080] =	vst v63  }
0xa5: {  	v3 =	vadd.s32 v1, v3  }
0xa6: {  	[tilespmem:s20], [sflag:$0x1] =	stream.indirect_vreg.gather [hbm4b:s4+s3], $0x80, v4, vm0, $0xb8;
	[tilespmem:$0x18080] =	vst v63  }
0xa7: {  	_ = 	snop  }
0xa8: {  	[tilespmem:s21], [sflag:$0x1] =	stream.indirect_vreg.gather [hbm4b:s5+s3], $0x80, v4, vm0, $0xb8;
	[tilespmem:$0x18080] =	vst v63  }
0xa9: {  	_ = 	snop  }
0xaa: {  	[tilespmem:s22], [sflag:$0x1] =	stream.indirect_vreg.gather [hbm4b:s2+s3], $0x80, v3, vm0, $0xb8;
	[tilespmem:$0x18080] =	vst v63  }
0xab: {  	_ = 	snop  }
0xac: {  	[tilespmem:s23], [sflag:$0x1] =	stream.indirect_vreg.gather [hbm4b:s4+s3], $0x80, v3, vm0, $0xb8;
	[tilespmem:$0x18080] =	vst v63  }
0xad: {  	_ = 	snop  }
0xae: {  	[tilespmem:s24], [sflag:$0x1] =	stream.indirect_vreg.gather [hbm4b:s5+s3], $0x80, v3, vm0, $0xb8;
	[tilespmem:$0x18080] =	vst v63  }
0xaf: {  	v3 =	vld [tilespmem:$0x70];
	_ =	sdelay $0x4  }
0xb0: {  	v63 =	vshrl.u32 v3, $0x3  }
0xb1: {  	v4 =	vmul.u32 $0x30, v63  }
0xb2: {  	v3 =	vand.u32 $0x7, v3  }
0xb3: {  	v3 =	vor.u32 v3, v4  }
0xb4: {  	v4 =	vperm.xlane v3, v0;
	_ =	sdelay $0x1  }
0xb5: {  	v4 =	vadd.s32 v1, v4;
	_ =	sdelay $0x3  }
0xb6: {  	v3 =	vperm.xlane v3, v2  }
0xb7: {  	[tilespmem:s25], [sflag:$0x1] =	stream.indirect_vreg.gather [hbm4b:s2+s3], $0x80, v4, vm0, $0xb8;
	[tilespmem:$0x18080] =	vst v63  }
0xb8: {  	v3 =	vadd.s32 v1, v3  }
0xb9: {  	[tilespmem:s26], [sflag:$0x1] =	stream.indirect_vreg.gather [hbm4b:s4+s3], $0x80, v4, vm0, $0xb8;
	[tilespmem:$0x18080] =	vst v63  }
0xba: {  	_ = 	snop  }
0xbb: {  	[tilespmem:s28], [sflag:$0x1] =	stream.indirect_vreg.gather [hbm4b:s5+s3], $0x80, v4, vm0, $0xb8;
	[tilespmem:$0x18080] =	vst v63  }
0xbc: {  	_ = 	snop  }
0xbd: {  	[tilespmem:s29], [sflag:$0x1] =	stream.indirect_vreg.gather [hbm4b:s2+s3], $0x80, v3, vm0, $0xb8;
	[tilespmem:$0x18080] =	vst v63  }
0xbe: {  	_ = 	snop  }
0xbf: {  	[tilespmem:s30], [sflag:$0x1] =	stream.indirect_vreg.gather [hbm4b:s4+s3], $0x80, v3, vm0, $0xb8;
	[tilespmem:$0x18080] =	vst v63  }
0xc0: {  	_ = 	snop  }
0xc1: {  	[tilespmem:s31], [sflag:$0x1] =	stream.indirect_vreg.gather [hbm4b:s5+s3], $0x80, v3, vm0, $0xb8;
	[tilespmem:$0x18080] =	vst v63  }
0xc2: {  	_ =	swait.ge [sflag:s1], $0x18000  }
0xc3: {  	p0 =	sne.s32 s6, $0x1;
	[sflag:s1] =	ssyncset.done $0x0  }
.Ltmp0:
0xc4: {  	s9 =	rddreg [dreg:$0x4];
	[sflag:s1] =	ssyncadd.s32 $0xFFFE8000;
	(pc) =	sbr.rel @p0 .LBB2_1-.Ltmp0, $4  }
0xc5: {  	[hbm4b:s9+s3] =	stream.linear.scatter [tilespmem:s8], [sflag:$0x2], $0x18000, $0x38;
	[tilespmem:$0x18080] =	vst v63  }
0xc6: {  	_ =	swait.ge [sflag:s7], $0x18000  }
0xc7: {  	[sflag:s7] =	ssyncset.done $0x0  }
0xc8: {  	s6 =	sadd.s32 $0xFFFFFFFF, s6;
	[sflag:s7] =	ssyncadd.s32 $0xFFFE8000  }
0xc9: {  	_ =	sfence.sel $0x180000  }
0xca: {  	[bflag:$0x0] =	sbarrier.arrive $0xFFFF  }
0xcb: {  	_ =	strace $0x90000047  }
0xcc: {  	s0 =	stileid.u32;
	[bflag:$0x2] =	sbarrier.arrive $0xFFFF  }
0xcd: {  	p0 =	sne.s32 s0, $0x0;
	s0 =	rddreg [dreg:$0x2]  }
0xce: {  	s0 =	sadd.s32 @!p0 $0x100000, s0  }
0xcf: {  	[sflag:s0] =	ssyncadd.tile.s32 @!p0 $0x1;
	_ =	shalt  }
.Lfunc_end2:
_tile_overlayer_lowered:
.L_overlay_start_2:
0xd0: {  	(tag) =	ssettag $0x2  }
0xd1: {  	s0 =	rddreg [dreg:$0x0];
	s2 =	stileid.u32  }
0xd2: {  	s1 =	rddreg [dreg:$0x1];
	p0 =	sne.s32 s2, $0x0  }
0xd3: {  	s3 =	rddreg [dreg:$0x2];
	[bflag:$0x3] =	sbarrier.arrive $0xFFFF;
	s2 =	simm.s32 @!p0 $0x1C02  }
0xd4: {  	[timem:s3], [sflag:s2] =	dma.local @!p0 [hbm:s0], s1  }
0xd5: {  	s0 =	simm.s32 @!p0 $0x2  }
0xd6: {  	_ =	swait.ge @!p0 [sflag:s0], s1  }
0xd7: {  	s1 =	ssub.s32 @!p0 $0x0, s1;
	[sflag:s0] =	ssyncset.done @!p0 $0x0  }
0xd8: {  	[sflag:s0] =	ssyncadd.s32 @!p0 s1  }
0xd9: {  	[bflag:$0x3] =	sbarrier.arrive $0xFFFF  }
0xda: {  	_ =	shalt  }

</sc_bundles>
